<compile_context>
chip_gen: v7x
topology: tpu7x:2x2x1
jax: 0.10.2.dev20260603
libtpu: 0.0.44.dev20260713+nightly
codegen_flags: <defaults>
</compile_context>

<pallas_src>
import jax
import jax.numpy as jnp
from jax import lax
from jax.experimental import pallas as pl
from jax.experimental.pallas import tpu as pltpu
from jax.experimental.pallas import tpu_sc as plsc

N = 10000
D = 128
E = 320000

NC = 2
NS = 16
NW = NC * NS
CHUNK = 128
CPW = 80
CPH = 40
E_PAD = NW * CPW * CHUNK
N_PAD = 10240
RPT = N_PAD // NS


def _make_sc_pass(with_count: bool):
    mesh = plsc.VectorSubcoreMesh(core_axis_name="c", subcore_axis_name="s")
    out_type = [jax.ShapeDtypeStruct((NC, N_PAD, D), jnp.float32)]
    if with_count:
        out_type.append(jax.ShapeDtypeStruct((NC, N_PAD), jnp.float32))
    scratch = [
        pltpu.VMEM((CPH, CHUNK), jnp.int32),
        pltpu.VMEM((CPH, CHUNK), jnp.int32),
        pltpu.VMEM((CHUNK, D), jnp.float32),
        pltpu.VMEM((CHUNK, D), jnp.float32),
        pltpu.VMEM_SHARED((N_PAD, D), jnp.float32),
        pltpu.SemaphoreType.DMA,
        pltpu.SemaphoreType.DMA,
    ]
    if with_count:
        scratch.append(pltpu.VMEM((CHUNK,), jnp.float32))
        scratch.append(pltpu.VMEM((RPT,), jnp.float32))
        scratch.append(pltpu.VMEM_SHARED((N_PAD,), jnp.float32))

    def body(x_hbm, src_hbm, dst_hbm, part_hbm, *rest):
        if with_count:
            (cnt_hbm, src_v, dst_v, rows_a, rows_b, acc, sem_a, sem_b,
             ones_v, zeros_v, cnt_sp) = rest
        else:
            src_v, dst_v, rows_a, rows_b, acc, sem_a, sem_b = rest

        cid = lax.axis_index("c")
        sid = lax.axis_index("s")
        wid = sid * NC + cid
        zero16 = jnp.zeros((16,), jnp.float32)
        base = sid * RPT

        def zrow(r, c):
            for k in range(D // 16):
                rows_a[r, pl.ds(k * 16, 16)] = zero16
            return c
        lax.fori_loop(0, CHUNK, zrow, 0)
        for b in range(RPT // CHUNK):
            pltpu.sync_copy(rows_a, acc.at[pl.ds(base + b * CHUNK, CHUNK)])
        if with_count:
            ones16 = jnp.ones((16,), jnp.float32)

            def fill(i, c):
                ones_v[pl.ds(i * 16, 16)] = ones16
                return c
            lax.fori_loop(0, CHUNK // 16, fill, 0)

            def zfill(i, c):
                zeros_v[pl.ds(i * 16, 16)] = zero16
                return c
            lax.fori_loop(0, RPT // 16, zfill, 0)
            pltpu.sync_copy(zeros_v, cnt_sp.at[pl.ds(base, RPT)])
        plsc.subcore_barrier()

        for h in range(CPW // CPH):
            pltpu.sync_copy(src_hbm.at[wid, pl.ds(h * CPH, CPH)], src_v)
            pltpu.sync_copy(dst_hbm.at[wid, pl.ds(h * CPH, CPH)], dst_v)

            pltpu.async_copy(x_hbm.at[src_v.at[0]], rows_a, sem_a)
            pltpu.async_copy(x_hbm.at[src_v.at[1]], rows_b, sem_b)

            def pair(t, c):
                j_a = 2 * t
                j_b = j_a + 1
                pltpu.make_async_copy(x_hbm.at[pl.ds(0, CHUNK)], rows_a,
                                      sem_a).wait()
                pltpu.sync_copy(rows_a, acc.at[dst_v.at[j_a]], add=True)
                pltpu.async_copy(x_hbm.at[src_v.at[lax.rem(j_a + 2, CPH)]],
                                 rows_a, sem_a)
                pltpu.make_async_copy(x_hbm.at[pl.ds(0, CHUNK)], rows_b,
                                      sem_b).wait()
                pltpu.sync_copy(rows_b, acc.at[dst_v.at[j_b]], add=True)
                pltpu.async_copy(x_hbm.at[src_v.at[lax.rem(j_b + 2, CPH)]],
                                 rows_b, sem_b)
                return c
            lax.fori_loop(0, CPH // 2, pair, 0)
            pltpu.make_async_copy(x_hbm.at[pl.ds(0, CHUNK)], rows_a,
                                  sem_a).wait()
            pltpu.make_async_copy(x_hbm.at[pl.ds(0, CHUNK)], rows_b,
                                  sem_b).wait()

            if with_count:
                def cbody(j, c):
                    pltpu.sync_copy(ones_v, cnt_sp.at[dst_v.at[j]], add=True)
                    return c
                lax.fori_loop(0, CPH, cbody, 0)

        plsc.subcore_barrier()
        pltpu.sync_copy(acc.at[pl.ds(base, RPT)],
                        part_hbm.at[cid, pl.ds(base, RPT)])
        if with_count:
            pltpu.sync_copy(cnt_sp.at[pl.ds(base, RPT)],
                            cnt_hbm.at[cid, pl.ds(base, RPT)])

    return pl.kernel(body, out_type=tuple(out_type) if with_count
                     else out_type[0],
                     mesh=mesh, scratch_types=scratch)


_sc_pass_count = _make_sc_pass(with_count=True)
_sc_pass = _make_sc_pass(with_count=False)


def _tc_body(p_ref, cnt_ref, x_ref, wl_ref, bl_ref, wr_ref, o_ref):
    s = p_ref[0] + p_ref[1]
    c = jnp.sum(cnt_ref[...], axis=0)
    agg = s / jnp.maximum(c, 1.0)[:, None]
    out = (jnp.dot(agg, wl_ref[...], preferred_element_type=jnp.float32)
           + bl_ref[...]
           + jnp.dot(x_ref[...], wr_ref[...],
                     preferred_element_type=jnp.float32))
    nrm = jnp.sqrt(jnp.sum(out * out, axis=-1, keepdims=True))
    out = out / jnp.maximum(nrm, 1e-12)
    o_ref[...] = jnp.maximum(out, 0.0)


def _tc_layer(part, cnt, xin, W_l, b_l, W_r):
    R = 1024
    grid = N_PAD // R
    return pl.pallas_call(
        _tc_body,
        grid=(grid,),
        in_specs=[
            pl.BlockSpec((2, R, D), lambda i: (0, i, 0)),
            pl.BlockSpec((NC, R), lambda i: (0, i)),
            pl.BlockSpec((R, D), lambda i: (i, 0)),
            pl.BlockSpec((D, D), lambda i: (0, 0)),
            pl.BlockSpec((1, D), lambda i: (0, 0)),
            pl.BlockSpec((D, D), lambda i: (0, 0)),
        ],
        out_specs=pl.BlockSpec((R, D), lambda i: (i, 0)),
        out_shape=jax.ShapeDtypeStruct((N_PAD, D), jnp.float32),
    )(part, cnt, xin, W_l, b_l.reshape(1, D), W_r)


def kernel(x, edge_index, W_l1, b_l1, W_r1, W_l2, b_l2, W_r2):
    src = edge_index[0]
    dst = edge_index[1]
    pad = E_PAD - E
    src_p = jnp.concatenate([src, jnp.zeros((pad,), jnp.int32)])
    dst_p = jnp.concatenate(
        [dst, N + (jnp.arange(pad, dtype=jnp.int32) % (N_PAD - N))])
    src3 = src_p.reshape(NW, CPW, CHUNK)
    dst3 = dst_p.reshape(NW, CPW, CHUNK)

    x_pad = jnp.zeros((N_PAD, D), jnp.float32).at[:N].set(x)

    part1, cnt = _sc_pass_count(x_pad, src3, dst3)
    h1 = _tc_layer(part1, cnt, x_pad, W_l1, b_l1, W_r1)
    part2 = _sc_pass(h1, src3, dst3)
    h2 = _tc_layer(part2, cnt, h1, W_l2, b_l2, W_r2)
    return h2[:N]

# --- scband reference (transcript-rebuilt; emitter-appended) ---
"""Pipeline reference for scband-gnnencoder-34041910788776 (READ-ONLY COPY).

The authoritative reference and input builder live on the scoring server;
editing this copy changes nothing except your own understanding.
"""

import jax, jax.numpy as jnp
import numpy as np

N = 10000
E = 320000
D_IN = 128
HID = 128


def setup_inputs(seed: int = 0) -> dict:
    key = jax.random.key(seed)
    ks = jax.random.split(key, 9)
    x = jax.random.normal(ks[0], (N, D_IN), dtype=jnp.float32)
    edge_index = jax.random.randint(ks[1], (2, E), 0, N, dtype=jnp.int32)
    s = 0.05
    W_l1 = jax.random.normal(ks[2], (D_IN, HID), dtype=jnp.float32) * s
    b_l1 = jnp.zeros((HID,), dtype=jnp.float32)
    W_r1 = jax.random.normal(ks[3], (D_IN, HID), dtype=jnp.float32) * s
    W_l2 = jax.random.normal(ks[4], (HID, HID), dtype=jnp.float32) * s
    b_l2 = jnp.zeros((HID,), dtype=jnp.float32)
    W_r2 = jax.random.normal(ks[5], (HID, HID), dtype=jnp.float32) * s
    return {"x": x, "edge_index": edge_index, "W_l1": W_l1, "b_l1": b_l1, "W_r1": W_r1, "W_l2": W_l2, "b_l2": b_l2, "W_r2": W_r2}


def _sage_conv(x, edge_index, W_l, b_l, W_r):
    # PyG SAGEConv (aggr='mean', root_weight=True, normalize=True):
    # aggr = mean_{j in N(i)} x_j ; out = lin_l(aggr) + lin_r(x) ; out = l2_normalize(out)
    src = edge_index[0]
    dst = edge_index[1]
    msgs = jnp.take(x, src, axis=0)
    agg = jax.ops.segment_sum(msgs, dst, num_segments=x.shape[0])
    cnt = jax.ops.segment_sum(jnp.ones_like(dst, dtype=x.dtype), dst, num_segments=x.shape[0])
    agg = agg / jnp.maximum(cnt, 1.0)[:, None]
    out = agg @ W_l + b_l + x @ W_r
    norm = jnp.linalg.norm(out, axis=-1, keepdims=True)
    out = out / jnp.maximum(norm, 1e-12)
    return out


def reference(x, edge_index, W_l1, b_l1, W_r1, W_l2, b_l2, W_r2):
    h = jax.nn.relu(_sage_conv(x, edge_index, W_l1, b_l1, W_r1))
    h = jax.nn.relu(_sage_conv(h, edge_index, W_l2, b_l2, W_r2))
    return h

if __name__ == "__main__":
    import jax
    _d = setup_inputs()
    print(jax.jit(kernel)(*tuple(_d.values())))

</pallas_src>

<mosaic_0001>
#map = affine_map<(d0, d1) -> (0, 0)>
#map1 = affine_map<(d0, d1) -> (0, 0, 0)>
module attributes {stable_mosaic.version = 14 : i64} {
  func.func @body(%arg0: i32, %arg1: i32, %arg2: memref<10240x128xf32, #tpu.memory_space<hbm>>, %arg3: memref<32x80x128xi32, #tpu.memory_space<hbm>>, %arg4: memref<32x80x128xi32, #tpu.memory_space<hbm>>, %arg5: memref<2x10240x128xf32, #tpu.memory_space<hbm>>, %arg6: memref<40x128xi32, #tpu.memory_space<vmem>>, %arg7: memref<40x128xi32, #tpu.memory_space<vmem>>, %arg8: memref<128x128xf32, #tpu.memory_space<vmem>>, %arg9: memref<128x128xf32, #tpu.memory_space<vmem>>, %arg10: memref<10240x128xf32, #tpu.memory_space<vmem_shared>>, %arg11: memref<!tpu.dma_semaphore, #tpu.memory_space<semaphore_mem>>, %arg12: memref<!tpu.dma_semaphore, #tpu.memory_space<semaphore_mem>>) attributes {dimension_semantics = [#tpu.dimension_semantics<core_parallel>, #tpu.dimension_semantics<subcore_parallel>], iteration_bounds = array<i64: 2, 16>, scalar_prefetch = 0 : i64, scratch_operands = 7 : i64, tpu.core_type = #tpu.core_type<sc_vector_subcore>, window_params = [{transform_indices = #map}, {transform_indices = #map1}, {transform_indices = #map1}, {transform_indices = #map1}]} {
    %mul3A = arith.constant 2 : i32
    %mul3A_0 = arith.muli %arg1, %mul3A : i32
    %add3A = arith.addi %mul3A_0, %arg0 : i32
    %broadcast_in_dim3A = arith.constant 0.000000e+00 : f32
    %broadcast_in_dim3A_1 = vector.broadcast %broadcast_in_dim3A : f32 to vector<16xf32>
    %mul3A_2 = arith.constant 640 : i32
    %mul3A_3 = arith.muli %arg1, %mul3A_2 : i32
    %scan3A = arith.constant 0 : i32
    %scan3A_4 = arith.constant 0 : i32
    %scan3A_5 = arith.constant 128 : i32
    %scan3A_6 = arith.addi %scan3A_4, %scan3A_5 : i32
    %scan3A_7 = arith.constant 1 : i32
    scf.for %scan3A_82 = %scan3A_4 to %scan3A_6 step %scan3A_7  : i32 {
      %swap3A = arith.index_cast %scan3A_82 : i32 to index
      %swap3A_83 = arith.constant 0 : index
      %swap3A_84 = tpu.vector_load %arg8[%swap3A, %swap3A_83] {strides = array<i32>} : memref<128x128xf32, #tpu.memory_space<vmem>>, vector<1x16xf32>,
      %swap3A_85 = vector.shape_cast %swap3A_84 : vector<1x16xf32> to vector<16xf32>
      %swap3A_86 = vector.shape_cast %broadcast_in_dim3A_1 : vector<16xf32> to vector<1x16xf32>
      tpu.vector_store %arg8[%swap3A, %swap3A_83], %swap3A_86 {strides = array<i32>} : memref<128x128xf32, #tpu.memory_space<vmem>>, vector<1x16xf32>,
      %swap3A_87 = arith.index_cast %scan3A_82 : i32 to index
      %swap3A_88 = arith.constant 16 : index
      %swap3A_89 = tpu.vector_load %arg8[%swap3A_87, %swap3A_88] {strides = array<i32>} : memref<128x128xf32, #tpu.memory_space<vmem>>, vector<1x16xf32>,
      %swap3A_90 = vector.shape_cast %swap3A_89 : vector<1x16xf32> to vector<16xf32>
      %swap3A_91 = vector.shape_cast %broadcast_in_dim3A_1 : vector<16xf32> to vector<1x16xf32>
      tpu.vector_store %arg8[%swap3A_87, %swap3A_88], %swap3A_91 {strides = array<i32>} : memref<128x128xf32, #tpu.memory_space<vmem>>, vector<1x16xf32>,
      %swap3A_92 = arith.index_cast %scan3A_82 : i32 to index
      %swap3A_93 = arith.constant 32 : index
      %swap3A_94 = tpu.vector_load %arg8[%swap3A_92, %swap3A_93] {strides = array<i32>} : memref<128x128xf32, #tpu.memory_space<vmem>>, vector<1x16xf32>,
      %swap3A_95 = vector.shape_cast %swap3A_94 : vector<1x16xf32> to vector<16xf32>
      %swap3A_96 = vector.shape_cast %broadcast_in_dim3A_1 : vector<16xf32> to vector<1x16xf32>
      tpu.vector_store %arg8[%swap3A_92, %swap3A_93], %swap3A_96 {strides = array<i32>} : memref<128x128xf32, #tpu.memory_space<vmem>>, vector<1x16xf32>,
      %swap3A_97 = arith.index_cast %scan3A_82 : i32 to index
      %swap3A_98 = arith.constant 48 : index
      %swap3A_99 = tpu.vector_load %arg8[%swap3A_97, %swap3A_98] {strides = array<i32>} : memref<128x128xf32, #tpu.memory_space<vmem>>, vector<1x16xf32>,
      %swap3A_100 = vector.shape_cast %swap3A_99 : vector<1x16xf32> to vector<16xf32>
      %swap3A_101 = vector.shape_cast %broadcast_in_dim3A_1 : vector<16xf32> to vector<1x16xf32>
      tpu.vector_store %arg8[%swap3A_97, %swap3A_98], %swap3A_101 {strides = array<i32>} : memref<128x128xf32, #tpu.memory_space<vmem>>, vector<1x16xf32>,
      %swap3A_102 = arith.index_cast %scan3A_82 : i32 to index
      %swap3A_103 = arith.constant 64 : index
      %swap3A_104 = tpu.vector_load %arg8[%swap3A_102, %swap3A_103] {strides = array<i32>} : memref<128x128xf32, #tpu.memory_space<vmem>>, vector<1x16xf32>,
      %swap3A_105 = vector.shape_cast %swap3A_104 : vector<1x16xf32> to vector<16xf32>
      %swap3A_106 = vector.shape_cast %broadcast_in_dim3A_1 : vector<16xf32> to vector<1x16xf32>
      tpu.vector_store %arg8[%swap3A_102, %swap3A_103], %swap3A_106 {strides = array<i32>} : memref<128x128xf32, #tpu.memory_space<vmem>>, vector<1x16xf32>,
      %swap3A_107 = arith.index_cast %scan3A_82 : i32 to index
      %swap3A_108 = arith.constant 80 : index
      %swap3A_109 = tpu.vector_load %arg8[%swap3A_107, %swap3A_108] {strides = array<i32>} : memref<128x128xf32, #tpu.memory_space<vmem>>, vector<1x16xf32>,
      %swap3A_110 = vector.shape_cast %swap3A_109 : vector<1x16xf32> to vector<16xf32>
      %swap3A_111 = vector.shape_cast %broadcast_in_dim3A_1 : vector<16xf32> to vector<1x16xf32>
      tpu.vector_store %arg8[%swap3A_107, %swap3A_108], %swap3A_111 {strides = array<i32>} : memref<128x128xf32, #tpu.memory_space<vmem>>, vector<1x16xf32>,
      %swap3A_112 = arith.index_cast %scan3A_82 : i32 to index
      %swap3A_113 = arith.constant 96 : index
      %swap3A_114 = tpu.vector_load %arg8[%swap3A_112, %swap3A_113] {strides = array<i32>} : memref<128x128xf32, #tpu.memory_space<vmem>>, vector<1x16xf32>,
      %swap3A_115 = vector.shape_cast %swap3A_114 : vector<1x16xf32> to vector<16xf32>
      %swap3A_116 = vector.shape_cast %broadcast_in_dim3A_1 : vector<16xf32> to vector<1x16xf32>
      tpu.vector_store %arg8[%swap3A_112, %swap3A_113], %swap3A_116 {strides = array<i32>} : memref<128x128xf32, #tpu.memory_space<vmem>>, vector<1x16xf32>,
      %swap3A_117 = arith.index_cast %scan3A_82 : i32 to index
      %swap3A_118 = arith.constant 112 : index
      %swap3A_119 = tpu.vector_load %arg8[%swap3A_117, %swap3A_118] {strides = array<i32>} : memref<128x128xf32, #tpu.memory_space<vmem>>, vector<1x16xf32>,
      %swap3A_120 = vector.shape_cast %swap3A_119 : vector<1x16xf32> to vector<16xf32>
      %swap3A_121 = vector.shape_cast %broadcast_in_dim3A_1 : vector<16xf32> to vector<1x16xf32>
      tpu.vector_store %arg8[%swap3A_117, %swap3A_118], %swap3A_121 {strides = array<i32>} : memref<128x128xf32, #tpu.memory_space<vmem>>, vector<1x16xf32>,
    }
    %scan3A_8 = arith.constant 128 : i32
    %add3A_9 = arith.constant 0 : i32
    %add3A_10 = arith.addi %mul3A_3, %add3A_9 : i32
    "tpu.region"() ({
      %run_scoped3A = tpu.sem_alloc : memref<!tpu.dma_semaphore, #tpu.memory_space<semaphore_mem>>
      %dma_start3A_82 = arith.constant 0 : i32
      %dma_start3A_83 = tpu.memref_slice %arg10[%add3A_10, %dma_start3A_82] : memref<10240x128xf32, #tpu.memory_space<vmem_shared>> -> memref<128x128xf32, #tpu.memory_space<vmem_shared>>
      %dma_start3A_84 = arith.constant 0 : i32
      %dma_start3A_85 = tpu.memref_slice %arg10[%add3A_10, %dma_start3A_84] : memref<10240x128xf32, #tpu.memory_space<vmem_shared>> -> memref<128x128xf32, #tpu.memory_space<vmem_shared>>
      tpu.enqueue_dma source(%arg8 : memref<128x128xf32, #tpu.memory_space<vmem>>) target(%dma_start3A_85 : memref<128x128xf32, #tpu.memory_space<vmem_shared>>) target_semaphore(%run_scoped3A : memref<!tpu.dma_semaphore, #tpu.memory_space<semaphore_mem>>)
      %dma_wait3A_86 = arith.constant 0 : i32
      %dma_wait3A_87 = tpu.memref_slice %arg10[%add3A_10, %dma_wait3A_86] : memref<10240x128xf32, #tpu.memory_space<vmem_shared>> -> memref<128x128xf32, #tpu.memory_space<vmem_shared>>
      %dma_wait3A_88 = arith.constant 0 : i32
      %dma_wait3A_89 = tpu.memref_slice %arg10[%add3A_10, %dma_wait3A_88] : memref<10240x128xf32, #tpu.memory_space<vmem_shared>> -> memref<128x128xf32, #tpu.memory_space<vmem_shared>>
      tpu.wait_dma2 semaphore(%run_scoped3A : memref<!tpu.dma_semaphore, #tpu.memory_space<semaphore_mem>>) src(%arg8 : memref<128x128xf32, #tpu.memory_space<vmem>>) dst(%dma_wait3A_89 : memref<128x128xf32, #tpu.memory_space<vmem_shared>>)
      tpu.yield
    }) : () -> ()
    %add3A_11 = arith.constant 128 : i32
    %add3A_12 = arith.addi %mul3A_3, %add3A_11 : i32
    "tpu.region"() ({
      %run_scoped3A = tpu.sem_alloc : memref<!tpu.dma_semaphore, #tpu.memory_space<semaphore_mem>>
      %dma_start3A_82 = arith.constant 0 : i32
      %dma_start3A_83 = tpu.memref_slice %arg10[%add3A_12, %dma_start3A_82] : memref<10240x128xf32, #tpu.memory_space<vmem_shared>> -> memref<128x128xf32, #tpu.memory_space<vmem_shared>>
      %dma_start3A_84 = arith.constant 0 : i32
      %dma_start3A_85 = tpu.memref_slice %arg10[%add3A_12, %dma_start3A_84] : memref<10240x128xf32, #tpu.memory_space<vmem_shared>> -> memref<128x128xf32, #tpu.memory_space<vmem_shared>>
      tpu.enqueue_dma source(%arg8 : memref<128x128xf32, #tpu.memory_space<vmem>>) target(%dma_start3A_85 : memref<128x128xf32, #tpu.memory_space<vmem_shared>>) target_semaphore(%run_scoped3A : memref<!tpu.dma_semaphore, #tpu.memory_space<semaphore_mem>>)
      %dma_wait3A_86 = arith.constant 0 : i32
      %dma_wait3A_87 = tpu.memref_slice %arg10[%add3A_12, %dma_wait3A_86] : memref<10240x128xf32, #tpu.memory_space<vmem_shared>> -> memref<128x128xf32, #tpu.memory_space<vmem_shared>>
      %dma_wait3A_88 = arith.constant 0 : i32
      %dma_wait3A_89 = tpu.memref_slice %arg10[%add3A_12, %dma_wait3A_88] : memref<10240x128xf32, #tpu.memory_space<vmem_shared>> -> memref<128x128xf32, #tpu.memory_space<vmem_shared>>
      tpu.wait_dma2 semaphore(%run_scoped3A : memref<!tpu.dma_semaphore, #tpu.memory_space<semaphore_mem>>) src(%arg8 : memref<128x128xf32, #tpu.memory_space<vmem>>) dst(%dma_wait3A_89 : memref<128x128xf32, #tpu.memory_space<vmem_shared>>)
      tpu.yield
    }) : () -> ()
    %add3A_13 = arith.constant 256 : i32
    %add3A_14 = arith.addi %mul3A_3, %add3A_13 : i32
    "tpu.region"() ({
      %run_scoped3A = tpu.sem_alloc : memref<!tpu.dma_semaphore, #tpu.memory_space<semaphore_mem>>
      %dma_start3A_82 = arith.constant 0 : i32
      %dma_start3A_83 = tpu.memref_slice %arg10[%add3A_14, %dma_start3A_82] : memref<10240x128xf32, #tpu.memory_space<vmem_shared>> -> memref<128x128xf32, #tpu.memory_space<vmem_shared>>
      %dma_start3A_84 = arith.constant 0 : i32
      %dma_start3A_85 = tpu.memref_slice %arg10[%add3A_14, %dma_start3A_84] : memref<10240x128xf32, #tpu.memory_space<vmem_shared>> -> memref<128x128xf32, #tpu.memory_space<vmem_shared>>
      tpu.enqueue_dma source(%arg8 : memref<128x128xf32, #tpu.memory_space<vmem>>) target(%dma_start3A_85 : memref<128x128xf32, #tpu.memory_space<vmem_shared>>) target_semaphore(%run_scoped3A : memref<!tpu.dma_semaphore, #tpu.memory_space<semaphore_mem>>)
      %dma_wait3A_86 = arith.constant 0 : i32
      %dma_wait3A_87 = tpu.memref_slice %arg10[%add3A_14, %dma_wait3A_86] : memref<10240x128xf32, #tpu.memory_space<vmem_shared>> -> memref<128x128xf32, #tpu.memory_space<vmem_shared>>
      %dma_wait3A_88 = arith.constant 0 : i32
      %dma_wait3A_89 = tpu.memref_slice %arg10[%add3A_14, %dma_wait3A_88] : memref<10240x128xf32, #tpu.memory_space<vmem_shared>> -> memref<128x128xf32, #tpu.memory_space<vmem_shared>>
      tpu.wait_dma2 semaphore(%run_scoped3A : memref<!tpu.dma_semaphore, #tpu.memory_space<semaphore_mem>>) src(%arg8 : memref<128x128xf32, #tpu.memory_space<vmem>>) dst(%dma_wait3A_89 : memref<128x128xf32, #tpu.memory_space<vmem_shared>>)
      tpu.yield
    }) : () -> ()
    %add3A_15 = arith.constant 384 : i32
    %add3A_16 = arith.addi %mul3A_3, %add3A_15 : i32
    "tpu.region"() ({
      %run_scoped3A = tpu.sem_alloc : memref<!tpu.dma_semaphore, #tpu.memory_space<semaphore_mem>>
      %dma_start3A_82 = arith.constant 0 : i32
      %dma_start3A_83 = tpu.memref_slice %arg10[%add3A_16, %dma_start3A_82] : memref<10240x128xf32, #tpu.memory_space<vmem_shared>> -> memref<128x128xf32, #tpu.memory_space<vmem_shared>>
      %dma_start3A_84 = arith.constant 0 : i32
      %dma_start3A_85 = tpu.memref_slice %arg10[%add3A_16, %dma_start3A_84] : memref<10240x128xf32, #tpu.memory_space<vmem_shared>> -> memref<128x128xf32, #tpu.memory_space<vmem_shared>>
      tpu.enqueue_dma source(%arg8 : memref<128x128xf32, #tpu.memory_space<vmem>>) target(%dma_start3A_85 : memref<128x128xf32, #tpu.memory_space<vmem_shared>>) target_semaphore(%run_scoped3A : memref<!tpu.dma_semaphore, #tpu.memory_space<semaphore_mem>>)
      %dma_wait3A_86 = arith.constant 0 : i32
      %dma_wait3A_87 = tpu.memref_slice %arg10[%add3A_16, %dma_wait3A_86] : memref<10240x128xf32, #tpu.memory_space<vmem_shared>> -> memref<128x128xf32, #tpu.memory_space<vmem_shared>>
      %dma_wait3A_88 = arith.constant 0 : i32
      %dma_wait3A_89 = tpu.memref_slice %arg10[%add3A_16, %dma_wait3A_88] : memref<10240x128xf32, #tpu.memory_space<vmem_shared>> -> memref<128x128xf32, #tpu.memory_space<vmem_shared>>
      tpu.wait_dma2 semaphore(%run_scoped3A : memref<!tpu.dma_semaphore, #tpu.memory_space<semaphore_mem>>) src(%arg8 : memref<128x128xf32, #tpu.memory_space<vmem>>) dst(%dma_wait3A_89 : memref<128x128xf32, #tpu.memory_space<vmem_shared>>)
      tpu.yield
    }) : () -> ()
    %add3A_17 = arith.constant 512 : i32
    %add3A_18 = arith.addi %mul3A_3, %add3A_17 : i32
    "tpu.region"() ({
      %run_scoped3A = tpu.sem_alloc : memref<!tpu.dma_semaphore, #tpu.memory_space<semaphore_mem>>
      %dma_start3A_82 = arith.constant 0 : i32
      %dma_start3A_83 = tpu.memref_slice %arg10[%add3A_18, %dma_start3A_82] : memref<10240x128xf32, #tpu.memory_space<vmem_shared>> -> memref<128x128xf32, #tpu.memory_space<vmem_shared>>
      %dma_start3A_84 = arith.constant 0 : i32
      %dma_start3A_85 = tpu.memref_slice %arg10[%add3A_18, %dma_start3A_84] : memref<10240x128xf32, #tpu.memory_space<vmem_shared>> -> memref<128x128xf32, #tpu.memory_space<vmem_shared>>
      tpu.enqueue_dma source(%arg8 : memref<128x128xf32, #tpu.memory_space<vmem>>) target(%dma_start3A_85 : memref<128x128xf32, #tpu.memory_space<vmem_shared>>) target_semaphore(%run_scoped3A : memref<!tpu.dma_semaphore, #tpu.memory_space<semaphore_mem>>)
      %dma_wait3A_86 = arith.constant 0 : i32
      %dma_wait3A_87 = tpu.memref_slice %arg10[%add3A_18, %dma_wait3A_86] : memref<10240x128xf32, #tpu.memory_space<vmem_shared>> -> memref<128x128xf32, #tpu.memory_space<vmem_shared>>
      %dma_wait3A_88 = arith.constant 0 : i32
      %dma_wait3A_89 = tpu.memref_slice %arg10[%add3A_18, %dma_wait3A_88] : memref<10240x128xf32, #tpu.memory_space<vmem_shared>> -> memref<128x128xf32, #tpu.memory_space<vmem_shared>>
      tpu.wait_dma2 semaphore(%run_scoped3A : memref<!tpu.dma_semaphore, #tpu.memory_space<semaphore_mem>>) src(%arg8 : memref<128x128xf32, #tpu.memory_space<vmem>>) dst(%dma_wait3A_89 : memref<128x128xf32, #tpu.memory_space<vmem_shared>>)
      tpu.yield
    }) : () -> ()
    %barrier3A = arith.constant 0 : index
    tpu.barrier barrier_id(%barrier3A)
    "tpu.region"() ({
      %run_scoped3A = tpu.sem_alloc : memref<!tpu.dma_semaphore, #tpu.memory_space<semaphore_mem>>
      %dma_start3A_82 = arith.constant 0 : i32
      %dma_start3A_83 = arith.constant 0 : i32
      %dma_start3A_84 = tpu.memref_slice %arg3[%add3A, %dma_start3A_82, %dma_start3A_83] : memref<32x80x128xi32, #tpu.memory_space<hbm>> -> memref<1x40x128xi32, #tpu.memory_space<hbm>>
      %dma_start3A_85 = tpu.memref_squeeze %dma_start3A_84 : memref<1x40x128xi32, #tpu.memory_space<hbm>> -> memref<40x128xi32, #tpu.memory_space<hbm>>
      %dma_start3A_86 = arith.constant 0 : i32
      %dma_start3A_87 = arith.constant 0 : i32
      %dma_start3A_88 = tpu.memref_slice %arg3[%add3A, %dma_start3A_86, %dma_start3A_87] : memref<32x80x128xi32, #tpu.memory_space<hbm>> -> memref<1x40x128xi32, #tpu.memory_space<hbm>>
      %dma_start3A_89 = tpu.memref_squeeze %dma_start3A_88 : memref<1x40x128xi32, #tpu.memory_space<hbm>> -> memref<40x128xi32, #tpu.memory_space<hbm>>
      tpu.enqueue_dma source(%dma_start3A_89 : memref<40x128xi32, #tpu.memory_space<hbm>>) target(%arg6 : memref<40x128xi32, #tpu.memory_space<vmem>>) target_semaphore(%run_scoped3A : memref<!tpu.dma_semaphore, #tpu.memory_space<semaphore_mem>>)
      %dma_wait3A_90 = arith.constant 0 : i32
      %dma_wait3A_91 = arith.constant 0 : i32
      %dma_wait3A_92 = tpu.memref_slice %arg3[%add3A, %dma_wait3A_90, %dma_wait3A_91] : memref<32x80x128xi32, #tpu.memory_space<hbm>> -> memref<1x40x128xi32, #tpu.memory_space<hbm>>
      %dma_wait3A_93 = tpu.memref_squeeze %dma_wait3A_92 : memref<1x40x128xi32, #tpu.memory_space<hbm>> -> memref<40x128xi32, #tpu.memory_space<hbm>>
      %dma_wait3A_94 = arith.constant 0 : i32
      %dma_wait3A_95 = arith.constant 0 : i32
      %dma_wait3A_96 = tpu.memref_slice %arg3[%add3A, %dma_wait3A_94, %dma_wait3A_95] : memref<32x80x128xi32, #tpu.memory_space<hbm>> -> memref<1x40x128xi32, #tpu.memory_space<hbm>>
      %dma_wait3A_97 = tpu.memref_squeeze %dma_wait3A_96 : memref<1x40x128xi32, #tpu.memory_space<hbm>> -> memref<40x128xi32, #tpu.memory_space<hbm>>
      tpu.wait_dma2 semaphore(%run_scoped3A : memref<!tpu.dma_semaphore, #tpu.memory_space<semaphore_mem>>) src(%dma_wait3A_97 : memref<40x128xi32, #tpu.memory_space<hbm>>) dst(%arg6 : memref<40x128xi32, #tpu.memory_space<vmem>>)
      tpu.yield
    }) : () -> ()
    "tpu.region"() ({
      %run_scoped3A = tpu.sem_alloc : memref<!tpu.dma_semaphore, #tpu.memory_space<semaphore_mem>>
      %dma_start3A_82 = arith.constant 0 : i32
      %dma_start3A_83 = arith.constant 0 : i32
      %dma_start3A_84 = tpu.memref_slice %arg4[%add3A, %dma_start3A_82, %dma_start3A_83] : memref<32x80x128xi32, #tpu.memory_space<hbm>> -> memref<1x40x128xi32, #tpu.memory_space<hbm>>
      %dma_start3A_85 = tpu.memref_squeeze %dma_start3A_84 : memref<1x40x128xi32, #tpu.memory_space<hbm>> -> memref<40x128xi32, #tpu.memory_space<hbm>>
      %dma_start3A_86 = arith.constant 0 : i32
      %dma_start3A_87 = arith.constant 0 : i32
      %dma_start3A_88 = tpu.memref_slice %arg4[%add3A, %dma_start3A_86, %dma_start3A_87] : memref<32x80x128xi32, #tpu.memory_space<hbm>> -> memref<1x40x128xi32, #tpu.memory_space<hbm>>
      %dma_start3A_89 = tpu.memref_squeeze %dma_start3A_88 : memref<1x40x128xi32, #tpu.memory_space<hbm>> -> memref<40x128xi32, #tpu.memory_space<hbm>>
      tpu.enqueue_dma source(%dma_start3A_89 : memref<40x128xi32, #tpu.memory_space<hbm>>) target(%arg7 : memref<40x128xi32, #tpu.memory_space<vmem>>) target_semaphore(%run_scoped3A : memref<!tpu.dma_semaphore, #tpu.memory_space<semaphore_mem>>)
      %dma_wait3A_90 = arith.constant 0 : i32
      %dma_wait3A_91 = arith.constant 0 : i32
      %dma_wait3A_92 = tpu.memref_slice %arg4[%add3A, %dma_wait3A_90, %dma_wait3A_91] : memref<32x80x128xi32, #tpu.memory_space<hbm>> -> memref<1x40x128xi32, #tpu.memory_space<hbm>>
      %dma_wait3A_93 = tpu.memref_squeeze %dma_wait3A_92 : memref<1x40x128xi32, #tpu.memory_space<hbm>> -> memref<40x128xi32, #tpu.memory_space<hbm>>
      %dma_wait3A_94 = arith.constant 0 : i32
      %dma_wait3A_95 = arith.constant 0 : i32
      %dma_wait3A_96 = tpu.memref_slice %arg4[%add3A, %dma_wait3A_94, %dma_wait3A_95] : memref<32x80x128xi32, #tpu.memory_space<hbm>> -> memref<1x40x128xi32, #tpu.memory_space<hbm>>
      %dma_wait3A_97 = tpu.memref_squeeze %dma_wait3A_96 : memref<1x40x128xi32, #tpu.memory_space<hbm>> -> memref<40x128xi32, #tpu.memory_space<hbm>>
      tpu.wait_dma2 semaphore(%run_scoped3A : memref<!tpu.dma_semaphore, #tpu.memory_space<semaphore_mem>>) src(%dma_wait3A_97 : memref<40x128xi32, #tpu.memory_space<hbm>>) dst(%arg7 : memref<40x128xi32, #tpu.memory_space<vmem>>)
      tpu.yield
    }) : () -> ()
    %dma_start3A = arith.constant 0 : i32
    %dma_start3A_19 = arith.constant 0 : i32
    %dma_start3A_20 = tpu.memref_slice %arg6[%dma_start3A, %dma_start3A_19] : memref<40x128xi32, #tpu.memory_space<vmem>> -> memref<1x128xi32, #tpu.memory_space<vmem>>
    %dma_start3A_21 = tpu.memref_squeeze %dma_start3A_20 : memref<1x128xi32, #tpu.memory_space<vmem>> -> memref<128xi32, #tpu.memory_space<vmem>>
    %dma_start3A_22 = arith.constant 0 : i32
    %dma_start3A_23 = arith.constant 0 : i32
    %dma_start3A_24 = tpu.memref_slice %arg2[%dma_start3A_22, %dma_start3A_23] : memref<10240x128xf32, #tpu.memory_space<hbm>> -> memref<10240x128xf32, #tpu.memory_space<hbm>>
    tpu.enqueue_indirect_dma source(%dma_start3A_24 : memref<10240x128xf32, #tpu.memory_space<hbm>>) target(%arg8 : memref<128x128xf32, #tpu.memory_space<vmem>>) offsets(%dma_start3A_21 : memref<128xi32, #tpu.memory_space<vmem>>) semaphore(%arg11 : memref<!tpu.dma_semaphore, #tpu.memory_space<semaphore_mem>>)
    %dma_start3A_25 = arith.constant 1 : i32
    %dma_start3A_26 = arith.constant 0 : i32
    %dma_start3A_27 = tpu.memref_slice %arg6[%dma_start3A_25, %dma_start3A_26] : memref<40x128xi32, #tpu.memory_space<vmem>> -> memref<1x128xi32, #tpu.memory_space<vmem>>
    %dma_start3A_28 = tpu.memref_squeeze %dma_start3A_27 : memref<1x128xi32, #tpu.memory_space<vmem>> -> memref<128xi32, #tpu.memory_space<vmem>>
    %dma_start3A_29 = arith.constant 0 : i32
    %dma_start3A_30 = arith.constant 0 : i32
    %dma_start3A_31 = tpu.memref_slice %arg2[%dma_start3A_29, %dma_start3A_30] : memref<10240x128xf32, #tpu.memory_space<hbm>> -> memref<10240x128xf32, #tpu.memory_space<hbm>>
    tpu.enqueue_indirect_dma source(%dma_start3A_31 : memref<10240x128xf32, #tpu.memory_space<hbm>>) target(%arg9 : memref<128x128xf32, #tpu.memory_space<vmem>>) offsets(%dma_start3A_28 : memref<128xi32, #tpu.memory_space<vmem>>) semaphore(%arg12 : memref<!tpu.dma_semaphore, #tpu.memory_space<semaphore_mem>>)
    %scan3A_32 = arith.constant 0 : i32
    %scan3A_33 = arith.constant 0 : i32
    %scan3A_34 = arith.constant 20 : i32
    %scan3A_35 = arith.addi %scan3A_33, %scan3A_34 : i32
    %scan3A_36 = arith.constant 1 : i32
    scf.for %scan3A_82 = %scan3A_33 to %scan3A_35 step %scan3A_36  : i32 {
      %mul3A_83 = arith.constant 2 : i32
      %mul3A_84 = arith.muli %mul3A_83, %scan3A_82 : i32
      %add3A_85 = arith.constant 1 : i32
      %add3A_86 = arith.addi %mul3A_84, %add3A_85 : i32
      %dma_wait3A_87 = arith.constant 0 : i32
      %dma_wait3A_88 = arith.constant 0 : i32
      %dma_wait3A_89 = tpu.memref_slice %arg2[%dma_wait3A_87, %dma_wait3A_88] : memref<10240x128xf32, #tpu.memory_space<hbm>> -> memref<128x128xf32, #tpu.memory_space<hbm>>
      %dma_wait3A_90 = arith.constant 0 : i32
      %dma_wait3A_91 = arith.constant 0 : i32
      %dma_wait3A_92 = tpu.memref_slice %arg2[%dma_wait3A_90, %dma_wait3A_91] : memref<10240x128xf32, #tpu.memory_space<hbm>> -> memref<128x128xf32, #tpu.memory_space<hbm>>
      tpu.wait_dma2 semaphore(%arg11 : memref<!tpu.dma_semaphore, #tpu.memory_space<semaphore_mem>>) src(%dma_wait3A_92 : memref<128x128xf32, #tpu.memory_space<hbm>>) dst(%arg8 : memref<128x128xf32, #tpu.memory_space<vmem>>)
      "tpu.region"() ({
        %run_scoped3A = tpu.sem_alloc : memref<!tpu.dma_semaphore, #tpu.memory_space<semaphore_mem>>
        %dma_start3A_118 = arith.constant 0 : i32
        %dma_start3A_119 = tpu.memref_slice %arg7[%mul3A_84, %dma_start3A_118] : memref<40x128xi32, #tpu.memory_space<vmem>> -> memref<1x128xi32, #tpu.memory_space<vmem>>
        %dma_start3A_120 = tpu.memref_squeeze %dma_start3A_119 : memref<1x128xi32, #tpu.memory_space<vmem>> -> memref<128xi32, #tpu.memory_space<vmem>>
        %dma_start3A_121 = arith.constant 0 : i32
        %dma_start3A_122 = arith.constant 0 : i32
        %dma_start3A_123 = tpu.memref_slice %arg10[%dma_start3A_121, %dma_start3A_122] : memref<10240x128xf32, #tpu.memory_space<vmem_shared>> -> memref<10240x128xf32, #tpu.memory_space<vmem_shared>>
        tpu.enqueue_indirect_dma source(%arg8 : memref<128x128xf32, #tpu.memory_space<vmem>>) target(%dma_start3A_123 : memref<10240x128xf32, #tpu.memory_space<vmem_shared>>) offsets(%dma_start3A_120 : memref<128xi32, #tpu.memory_space<vmem>>) semaphore(%run_scoped3A : memref<!tpu.dma_semaphore, #tpu.memory_space<semaphore_mem>>) {add = true}
        %dma_wait3A_124 = arith.constant 0 : i32
        %dma_wait3A_125 = tpu.memref_slice %arg7[%mul3A_84, %dma_wait3A_124] : memref<40x128xi32, #tpu.memory_space<vmem>> -> memref<1x128xi32, #tpu.memory_space<vmem>>
        %dma_wait3A_126 = tpu.memref_squeeze %dma_wait3A_125 : memref<1x128xi32, #tpu.memory_space<vmem>> -> memref<128xi32, #tpu.memory_space<vmem>>
        %dma_wait3A_127 = arith.constant 0 : i32
        %dma_wait3A_128 = arith.constant 0 : i32
        %dma_wait3A_129 = tpu.memref_slice %arg10[%dma_wait3A_127, %dma_wait3A_128] : memref<10240x128xf32, #tpu.memory_space<vmem_shared>> -> memref<10240x128xf32, #tpu.memory_space<vmem_shared>>
        tpu.wait_indirect_dma semaphore(%run_scoped3A : memref<!tpu.dma_semaphore, #tpu.memory_space<semaphore_mem>>) src(%arg8 : memref<128x128xf32, #tpu.memory_space<vmem>>) dst(%dma_wait3A_129 : memref<10240x128xf32, #tpu.memory_space<vmem_shared>>)
        tpu.yield
      }) : () -> ()
      %add3A_93 = arith.constant 2 : i32
      %add3A_94 = arith.addi %mul3A_84, %add3A_93 : i32
      %rem3A = arith.constant 40 : i32
      %rem3A_95 = arith.remsi %add3A_94, %rem3A : i32
      %dma_start3A_96 = arith.constant 0 : i32
      %dma_start3A_97 = tpu.memref_slice %arg6[%rem3A_95, %dma_start3A_96] : memref<40x128xi32, #tpu.memory_space<vmem>> -> memref<1x128xi32, #tpu.memory_space<vmem>>
      %dma_start3A_98 = tpu.memref_squeeze %dma_start3A_97 : memref<1x128xi32, #tpu.memory_space<vmem>> -> memref<128xi32, #tpu.memory_space<vmem>>
      %dma_start3A_99 = arith.constant 0 : i32
      %dma_start3A_100 = arith.constant 0 : i32
      %dma_start3A_101 = tpu.memref_slice %arg2[%dma_start3A_99, %dma_start3A_100] : memref<10240x128xf32, #tpu.memory_space<hbm>> -> memref<10240x128xf32, #tpu.memory_space<hbm>>
      tpu.enqueue_indirect_dma source(%dma_start3A_101 : memref<10240x128xf32, #tpu.memory_space<hbm>>) target(%arg8 : memref<128x128xf32, #tpu.memory_space<vmem>>) offsets(%dma_start3A_98 : memref<128xi32, #tpu.memory_space<vmem>>) semaphore(%arg11 : memref<!tpu.dma_semaphore, #tpu.memory_space<semaphore_mem>>)
      %dma_wait3A_102 = arith.constant 0 : i32
      %dma_wait3A_103 = arith.constant 0 : i32
      %dma_wait3A_104 = tpu.memref_slice %arg2[%dma_wait3A_102, %dma_wait3A_103] : memref<10240x128xf32, #tpu.memory_space<hbm>> -> memref<128x128xf32, #tpu.memory_space<hbm>>
      %dma_wait3A_105 = arith.constant 0 : i32
      %dma_wait3A_106 = arith.constant 0 : i32
      %dma_wait3A_107 = tpu.memref_slice %arg2[%dma_wait3A_105, %dma_wait3A_106] : memref<10240x128xf32, #tpu.memory_space<hbm>> -> memref<128x128xf32, #tpu.memory_space<hbm>>
      tpu.wait_dma2 semaphore(%arg12 : memref<!tpu.dma_semaphore, #tpu.memory_space<semaphore_mem>>) src(%dma_wait3A_107 : memref<128x128xf32, #tpu.memory_space<hbm>>) dst(%arg9 : memref<128x128xf32, #tpu.memory_space<vmem>>)
      "tpu.region"() ({
        %run_scoped3A = tpu.sem_alloc : memref<!tpu.dma_semaphore, #tpu.memory_space<semaphore_mem>>
        %dma_start3A_118 = arith.constant 0 : i32
        %dma_start3A_119 = tpu.memref_slice %arg7[%add3A_86, %dma_start3A_118] : memref<40x128xi32, #tpu.memory_space<vmem>> -> memref<1x128xi32, #tpu.memory_space<vmem>>
        %dma_start3A_120 = tpu.memref_squeeze %dma_start3A_119 : memref<1x128xi32, #tpu.memory_space<vmem>> -> memref<128xi32, #tpu.memory_space<vmem>>
        %dma_start3A_121 = arith.constant 0 : i32
        %dma_start3A_122 = arith.constant 0 : i32
        %dma_start3A_123 = tpu.memref_slice %arg10[%dma_start3A_121, %dma_start3A_122] : memref<10240x128xf32, #tpu.memory_space<vmem_shared>> -> memref<10240x128xf32, #tpu.memory_space<vmem_shared>>
        tpu.enqueue_indirect_dma source(%arg9 : memref<128x128xf32, #tpu.memory_space<vmem>>) target(%dma_start3A_123 : memref<10240x128xf32, #tpu.memory_space<vmem_shared>>) offsets(%dma_start3A_120 : memref<128xi32, #tpu.memory_space<vmem>>) semaphore(%run_scoped3A : memref<!tpu.dma_semaphore, #tpu.memory_space<semaphore_mem>>) {add = true}
        %dma_wait3A_124 = arith.constant 0 : i32
        %dma_wait3A_125 = tpu.memref_slice %arg7[%add3A_86, %dma_wait3A_124] : memref<40x128xi32, #tpu.memory_space<vmem>> -> memref<1x128xi32, #tpu.memory_space<vmem>>
        %dma_wait3A_126 = tpu.memref_squeeze %dma_wait3A_125 : memref<1x128xi32, #tpu.memory_space<vmem>> -> memref<128xi32, #tpu.memory_space<vmem>>
        %dma_wait3A_127 = arith.constant 0 : i32
        %dma_wait3A_128 = arith.constant 0 : i32
        %dma_wait3A_129 = tpu.memref_slice %arg10[%dma_wait3A_127, %dma_wait3A_128] : memref<10240x128xf32, #tpu.memory_space<vmem_shared>> -> memref<10240x128xf32, #tpu.memory_space<vmem_shared>>
        tpu.wait_indirect_dma semaphore(%run_scoped3A : memref<!tpu.dma_semaphore, #tpu.memory_space<semaphore_mem>>) src(%arg9 : memref<128x128xf32, #tpu.memory_space<vmem>>) dst(%dma_wait3A_129 : memref<10240x128xf32, #tpu.memory_space<vmem_shared>>)
        tpu.yield
      }) : () -> ()
      %add3A_108 = arith.constant 2 : i32
      %add3A_109 = arith.addi %add3A_86, %add3A_108 : i32
      %rem3A_110 = arith.constant 40 : i32
      %rem3A_111 = arith.remsi %add3A_109, %rem3A_110 : i32
      %dma_start3A_112 = arith.constant 0 : i32
      %dma_start3A_113 = tpu.memref_slice %arg6[%rem3A_111, %dma_start3A_112] : memref<40x128xi32, #tpu.memory_space<vmem>> -> memref<1x128xi32, #tpu.memory_space<vmem>>
      %dma_start3A_114 = tpu.memref_squeeze %dma_start3A_113 : memref<1x128xi32, #tpu.memory_space<vmem>> -> memref<128xi32, #tpu.memory_space<vmem>>
      %dma_start3A_115 = arith.constant 0 : i32
      %dma_start3A_116 = arith.constant 0 : i32
      %dma_start3A_117 = tpu.memref_slice %arg2[%dma_start3A_115, %dma_start3A_116] : memref<10240x128xf32, #tpu.memory_space<hbm>> -> memref<10240x128xf32, #tpu.memory_space<hbm>>
      tpu.enqueue_indirect_dma source(%dma_start3A_117 : memref<10240x128xf32, #tpu.memory_space<hbm>>) target(%arg9 : memref<128x128xf32, #tpu.memory_space<vmem>>) offsets(%dma_start3A_114 : memref<128xi32, #tpu.memory_space<vmem>>) semaphore(%arg12 : memref<!tpu.dma_semaphore, #tpu.memory_space<semaphore_mem>>)
    }
    %scan3A_37 = arith.constant 20 : i32
    %dma_wait3A = arith.constant 0 : i32
    %dma_wait3A_38 = arith.constant 0 : i32
    %dma_wait3A_39 = tpu.memref_slice %arg2[%dma_wait3A, %dma_wait3A_38] : memref<10240x128xf32, #tpu.memory_space<hbm>> -> memref<128x128xf32, #tpu.memory_space<hbm>>
    %dma_wait3A_40 = arith.constant 0 : i32
    %dma_wait3A_41 = arith.constant 0 : i32
    %dma_wait3A_42 = tpu.memref_slice %arg2[%dma_wait3A_40, %dma_wait3A_41] : memref<10240x128xf32, #tpu.memory_space<hbm>> -> memref<128x128xf32, #tpu.memory_space<hbm>>
    tpu.wait_dma2 semaphore(%arg11 : memref<!tpu.dma_semaphore, #tpu.memory_space<semaphore_mem>>) src(%dma_wait3A_42 : memref<128x128xf32, #tpu.memory_space<hbm>>) dst(%arg8 : memref<128x128xf32, #tpu.memory_space<vmem>>)
    %dma_wait3A_43 = arith.constant 0 : i32
    %dma_wait3A_44 = arith.constant 0 : i32
    %dma_wait3A_45 = tpu.memref_slice %arg2[%dma_wait3A_43, %dma_wait3A_44] : memref<10240x128xf32, #tpu.memory_space<hbm>> -> memref<128x128xf32, #tpu.memory_space<hbm>>
    %dma_wait3A_46 = arith.constant 0 : i32
    %dma_wait3A_47 = arith.constant 0 : i32
    %dma_wait3A_48 = tpu.memref_slice %arg2[%dma_wait3A_46, %dma_wait3A_47] : memref<10240x128xf32, #tpu.memory_space<hbm>> -> memref<128x128xf32, #tpu.memory_space<hbm>>
    tpu.wait_dma2 semaphore(%arg12 : memref<!tpu.dma_semaphore, #tpu.memory_space<semaphore_mem>>) src(%dma_wait3A_48 : memref<128x128xf32, #tpu.memory_space<hbm>>) dst(%arg9 : memref<128x128xf32, #tpu.memory_space<vmem>>)
    "tpu.region"() ({
      %run_scoped3A = tpu.sem_alloc : memref<!tpu.dma_semaphore, #tpu.memory_space<semaphore_mem>>
      %dma_start3A_82 = arith.constant 40 : i32
      %dma_start3A_83 = arith.constant 0 : i32
      %dma_start3A_84 = tpu.memref_slice %arg3[%add3A, %dma_start3A_82, %dma_start3A_83] : memref<32x80x128xi32, #tpu.memory_space<hbm>> -> memref<1x40x128xi32, #tpu.memory_space<hbm>>
      %dma_start3A_85 = tpu.memref_squeeze %dma_start3A_84 : memref<1x40x128xi32, #tpu.memory_space<hbm>> -> memref<40x128xi32, #tpu.memory_space<hbm>>
      %dma_start3A_86 = arith.constant 40 : i32
      %dma_start3A_87 = arith.constant 0 : i32
      %dma_start3A_88 = tpu.memref_slice %arg3[%add3A, %dma_start3A_86, %dma_start3A_87] : memref<32x80x128xi32, #tpu.memory_space<hbm>> -> memref<1x40x128xi32, #tpu.memory_space<hbm>>
      %dma_start3A_89 = tpu.memref_squeeze %dma_start3A_88 : memref<1x40x128xi32, #tpu.memory_space<hbm>> -> memref<40x128xi32, #tpu.memory_space<hbm>>
      tpu.enqueue_dma source(%dma_start3A_89 : memref<40x128xi32, #tpu.memory_space<hbm>>) target(%arg6 : memref<40x128xi32, #tpu.memory_space<vmem>>) target_semaphore(%run_scoped3A : memref<!tpu.dma_semaphore, #tpu.memory_space<semaphore_mem>>)
      %dma_wait3A_90 = arith.constant 40 : i32
      %dma_wait3A_91 = arith.constant 0 : i32
      %dma_wait3A_92 = tpu.memref_slice %arg3[%add3A, %dma_wait3A_90, %dma_wait3A_91] : memref<32x80x128xi32, #tpu.memory_space<hbm>> -> memref<1x40x128xi32, #tpu.memory_space<hbm>>
      %dma_wait3A_93 = tpu.memref_squeeze %dma_wait3A_92 : memref<1x40x128xi32, #tpu.memory_space<hbm>> -> memref<40x128xi32, #tpu.memory_space<hbm>>
      %dma_wait3A_94 = arith.constant 40 : i32
      %dma_wait3A_95 = arith.constant 0 : i32
      %dma_wait3A_96 = tpu.memref_slice %arg3[%add3A, %dma_wait3A_94, %dma_wait3A_95] : memref<32x80x128xi32, #tpu.memory_space<hbm>> -> memref<1x40x128xi32, #tpu.memory_space<hbm>>
      %dma_wait3A_97 = tpu.memref_squeeze %dma_wait3A_96 : memref<1x40x128xi32, #tpu.memory_space<hbm>> -> memref<40x128xi32, #tpu.memory_space<hbm>>
      tpu.wait_dma2 semaphore(%run_scoped3A : memref<!tpu.dma_semaphore, #tpu.memory_space<semaphore_mem>>) src(%dma_wait3A_97 : memref<40x128xi32, #tpu.memory_space<hbm>>) dst(%arg6 : memref<40x128xi32, #tpu.memory_space<vmem>>)
      tpu.yield
    }) : () -> ()
    "tpu.region"() ({
      %run_scoped3A = tpu.sem_alloc : memref<!tpu.dma_semaphore, #tpu.memory_space<semaphore_mem>>
      %dma_start3A_82 = arith.constant 40 : i32
      %dma_start3A_83 = arith.constant 0 : i32
      %dma_start3A_84 = tpu.memref_slice %arg4[%add3A, %dma_start3A_82, %dma_start3A_83] : memref<32x80x128xi32, #tpu.memory_space<hbm>> -> memref<1x40x128xi32, #tpu.memory_space<hbm>>
      %dma_start3A_85 = tpu.memref_squeeze %dma_start3A_84 : memref<1x40x128xi32, #tpu.memory_space<hbm>> -> memref<40x128xi32, #tpu.memory_space<hbm>>
      %dma_start3A_86 = arith.constant 40 : i32
      %dma_start3A_87 = arith.constant 0 : i32
      %dma_start3A_88 = tpu.memref_slice %arg4[%add3A, %dma_start3A_86, %dma_start3A_87] : memref<32x80x128xi32, #tpu.memory_space<hbm>> -> memref<1x40x128xi32, #tpu.memory_space<hbm>>
      %dma_start3A_89 = tpu.memref_squeeze %dma_start3A_88 : memref<1x40x128xi32, #tpu.memory_space<hbm>> -> memref<40x128xi32, #tpu.memory_space<hbm>>
      tpu.enqueue_dma source(%dma_start3A_89 : memref<40x128xi32, #tpu.memory_space<hbm>>) target(%arg7 : memref<40x128xi32, #tpu.memory_space<vmem>>) target_semaphore(%run_scoped3A : memref<!tpu.dma_semaphore, #tpu.memory_space<semaphore_mem>>)
      %dma_wait3A_90 = arith.constant 40 : i32
      %dma_wait3A_91 = arith.constant 0 : i32
      %dma_wait3A_92 = tpu.memref_slice %arg4[%add3A, %dma_wait3A_90, %dma_wait3A_91] : memref<32x80x128xi32, #tpu.memory_space<hbm>> -> memref<1x40x128xi32, #tpu.memory_space<hbm>>
      %dma_wait3A_93 = tpu.memref_squeeze %dma_wait3A_92 : memref<1x40x128xi32, #tpu.memory_space<hbm>> -> memref<40x128xi32, #tpu.memory_space<hbm>>
      %dma_wait3A_94 = arith.constant 40 : i32
      %dma_wait3A_95 = arith.constant 0 : i32
      %dma_wait3A_96 = tpu.memref_slice %arg4[%add3A, %dma_wait3A_94, %dma_wait3A_95] : memref<32x80x128xi32, #tpu.memory_space<hbm>> -> memref<1x40x128xi32, #tpu.memory_space<hbm>>
      %dma_wait3A_97 = tpu.memref_squeeze %dma_wait3A_96 : memref<1x40x128xi32, #tpu.memory_space<hbm>> -> memref<40x128xi32, #tpu.memory_space<hbm>>
      tpu.wait_dma2 semaphore(%run_scoped3A : memref<!tpu.dma_semaphore, #tpu.memory_space<semaphore_mem>>) src(%dma_wait3A_97 : memref<40x128xi32, #tpu.memory_space<hbm>>) dst(%arg7 : memref<40x128xi32, #tpu.memory_space<vmem>>)
      tpu.yield
    }) : () -> ()
    %dma_start3A_49 = arith.constant 0 : i32
    %dma_start3A_50 = arith.constant 0 : i32
    %dma_start3A_51 = tpu.memref_slice %arg6[%dma_start3A_49, %dma_start3A_50] : memref<40x128xi32, #tpu.memory_space<vmem>> -> memref<1x128xi32, #tpu.memory_space<vmem>>
    %dma_start3A_52 = tpu.memref_squeeze %dma_start3A_51 : memref<1x128xi32, #tpu.memory_space<vmem>> -> memref<128xi32, #tpu.memory_space<vmem>>
    %dma_start3A_53 = arith.constant 0 : i32
    %dma_start3A_54 = arith.constant 0 : i32
    %dma_start3A_55 = tpu.memref_slice %arg2[%dma_start3A_53, %dma_start3A_54] : memref<10240x128xf32, #tpu.memory_space<hbm>> -> memref<10240x128xf32, #tpu.memory_space<hbm>>
    tpu.enqueue_indirect_dma source(%dma_start3A_55 : memref<10240x128xf32, #tpu.memory_space<hbm>>) target(%arg8 : memref<128x128xf32, #tpu.memory_space<vmem>>) offsets(%dma_start3A_52 : memref<128xi32, #tpu.memory_space<vmem>>) semaphore(%arg11 : memref<!tpu.dma_semaphore, #tpu.memory_space<semaphore_mem>>)
    %dma_start3A_56 = arith.constant 1 : i32
    %dma_start3A_57 = arith.constant 0 : i32
    %dma_start3A_58 = tpu.memref_slice %arg6[%dma_start3A_56, %dma_start3A_57] : memref<40x128xi32, #tpu.memory_space<vmem>> -> memref<1x128xi32, #tpu.memory_space<vmem>>
    %dma_start3A_59 = tpu.memref_squeeze %dma_start3A_58 : memref<1x128xi32, #tpu.memory_space<vmem>> -> memref<128xi32, #tpu.memory_space<vmem>>
    %dma_start3A_60 = arith.constant 0 : i32
    %dma_start3A_61 = arith.constant 0 : i32
    %dma_start3A_62 = tpu.memref_slice %arg2[%dma_start3A_60, %dma_start3A_61] : memref<10240x128xf32, #tpu.memory_space<hbm>> -> memref<10240x128xf32, #tpu.memory_space<hbm>>
    tpu.enqueue_indirect_dma source(%dma_start3A_62 : memref<10240x128xf32, #tpu.memory_space<hbm>>) target(%arg9 : memref<128x128xf32, #tpu.memory_space<vmem>>) offsets(%dma_start3A_59 : memref<128xi32, #tpu.memory_space<vmem>>) semaphore(%arg12 : memref<!tpu.dma_semaphore, #tpu.memory_space<semaphore_mem>>)
    %scan3A_63 = arith.constant 0 : i32
    %scan3A_64 = arith.constant 0 : i32
    %scan3A_65 = arith.constant 20 : i32
    %scan3A_66 = arith.addi %scan3A_64, %scan3A_65 : i32
    %scan3A_67 = arith.constant 1 : i32
    scf.for %scan3A_82 = %scan3A_64 to %scan3A_66 step %scan3A_67  : i32 {
      %mul3A_83 = arith.constant 2 : i32
      %mul3A_84 = arith.muli %mul3A_83, %scan3A_82 : i32
      %add3A_85 = arith.constant 1 : i32
      %add3A_86 = arith.addi %mul3A_84, %add3A_85 : i32
      %dma_wait3A_87 = arith.constant 0 : i32
      %dma_wait3A_88 = arith.constant 0 : i32
      %dma_wait3A_89 = tpu.memref_slice %arg2[%dma_wait3A_87, %dma_wait3A_88] : memref<10240x128xf32, #tpu.memory_space<hbm>> -> memref<128x128xf32, #tpu.memory_space<hbm>>
      %dma_wait3A_90 = arith.constant 0 : i32
      %dma_wait3A_91 = arith.constant 0 : i32
      %dma_wait3A_92 = tpu.memref_slice %arg2[%dma_wait3A_90, %dma_wait3A_91] : memref<10240x128xf32, #tpu.memory_space<hbm>> -> memref<128x128xf32, #tpu.memory_space<hbm>>
      tpu.wait_dma2 semaphore(%arg11 : memref<!tpu.dma_semaphore, #tpu.memory_space<semaphore_mem>>) src(%dma_wait3A_92 : memref<128x128xf32, #tpu.memory_space<hbm>>) dst(%arg8 : memref<128x128xf32, #tpu.memory_space<vmem>>)
      "tpu.region"() ({
        %run_scoped3A = tpu.sem_alloc : memref<!tpu.dma_semaphore, #tpu.memory_space<semaphore_mem>>
        %dma_start3A_118 = arith.constant 0 : i32
        %dma_start3A_119 = tpu.memref_slice %arg7[%mul3A_84, %dma_start3A_118] : memref<40x128xi32, #tpu.memory_space<vmem>> -> memref<1x128xi32, #tpu.memory_space<vmem>>
        %dma_start3A_120 = tpu.memref_squeeze %dma_start3A_119 : memref<1x128xi32, #tpu.memory_space<vmem>> -> memref<128xi32, #tpu.memory_space<vmem>>
        %dma_start3A_121 = arith.constant 0 : i32
        %dma_start3A_122 = arith.constant 0 : i32
        %dma_start3A_123 = tpu.memref_slice %arg10[%dma_start3A_121, %dma_start3A_122] : memref<10240x128xf32, #tpu.memory_space<vmem_shared>> -> memref<10240x128xf32, #tpu.memory_space<vmem_shared>>
        tpu.enqueue_indirect_dma source(%arg8 : memref<128x128xf32, #tpu.memory_space<vmem>>) target(%dma_start3A_123 : memref<10240x128xf32, #tpu.memory_space<vmem_shared>>) offsets(%dma_start3A_120 : memref<128xi32, #tpu.memory_space<vmem>>) semaphore(%run_scoped3A : memref<!tpu.dma_semaphore, #tpu.memory_space<semaphore_mem>>) {add = true}
        %dma_wait3A_124 = arith.constant 0 : i32
        %dma_wait3A_125 = tpu.memref_slice %arg7[%mul3A_84, %dma_wait3A_124] : memref<40x128xi32, #tpu.memory_space<vmem>> -> memref<1x128xi32, #tpu.memory_space<vmem>>
        %dma_wait3A_126 = tpu.memref_squeeze %dma_wait3A_125 : memref<1x128xi32, #tpu.memory_space<vmem>> -> memref<128xi32, #tpu.memory_space<vmem>>
        %dma_wait3A_127 = arith.constant 0 : i32
        %dma_wait3A_128 = arith.constant 0 : i32
        %dma_wait3A_129 = tpu.memref_slice %arg10[%dma_wait3A_127, %dma_wait3A_128] : memref<10240x128xf32, #tpu.memory_space<vmem_shared>> -> memref<10240x128xf32, #tpu.memory_space<vmem_shared>>
        tpu.wait_indirect_dma semaphore(%run_scoped3A : memref<!tpu.dma_semaphore, #tpu.memory_space<semaphore_mem>>) src(%arg8 : memref<128x128xf32, #tpu.memory_space<vmem>>) dst(%dma_wait3A_129 : memref<10240x128xf32, #tpu.memory_space<vmem_shared>>)
        tpu.yield
      }) : () -> ()
      %add3A_93 = arith.constant 2 : i32
      %add3A_94 = arith.addi %mul3A_84, %add3A_93 : i32
      %rem3A = arith.constant 40 : i32
      %rem3A_95 = arith.remsi %add3A_94, %rem3A : i32
      %dma_start3A_96 = arith.constant 0 : i32
      %dma_start3A_97 = tpu.memref_slice %arg6[%rem3A_95, %dma_start3A_96] : memref<40x128xi32, #tpu.memory_space<vmem>> -> memref<1x128xi32, #tpu.memory_space<vmem>>
      %dma_start3A_98 = tpu.memref_squeeze %dma_start3A_97 : memref<1x128xi32, #tpu.memory_space<vmem>> -> memref<128xi32, #tpu.memory_space<vmem>>
      %dma_start3A_99 = arith.constant 0 : i32
      %dma_start3A_100 = arith.constant 0 : i32
      %dma_start3A_101 = tpu.memref_slice %arg2[%dma_start3A_99, %dma_start3A_100] : memref<10240x128xf32, #tpu.memory_space<hbm>> -> memref<10240x128xf32, #tpu.memory_space<hbm>>
      tpu.enqueue_indirect_dma source(%dma_start3A_101 : memref<10240x128xf32, #tpu.memory_space<hbm>>) target(%arg8 : memref<128x128xf32, #tpu.memory_space<vmem>>) offsets(%dma_start3A_98 : memref<128xi32, #tpu.memory_space<vmem>>) semaphore(%arg11 : memref<!tpu.dma_semaphore, #tpu.memory_space<semaphore_mem>>)
      %dma_wait3A_102 = arith.constant 0 : i32
      %dma_wait3A_103 = arith.constant 0 : i32
      %dma_wait3A_104 = tpu.memref_slice %arg2[%dma_wait3A_102, %dma_wait3A_103] : memref<10240x128xf32, #tpu.memory_space<hbm>> -> memref<128x128xf32, #tpu.memory_space<hbm>>
      %dma_wait3A_105 = arith.constant 0 : i32
      %dma_wait3A_106 = arith.constant 0 : i32
      %dma_wait3A_107 = tpu.memref_slice %arg2[%dma_wait3A_105, %dma_wait3A_106] : memref<10240x128xf32, #tpu.memory_space<hbm>> -> memref<128x128xf32, #tpu.memory_space<hbm>>
      tpu.wait_dma2 semaphore(%arg12 : memref<!tpu.dma_semaphore, #tpu.memory_space<semaphore_mem>>) src(%dma_wait3A_107 : memref<128x128xf32, #tpu.memory_space<hbm>>) dst(%arg9 : memref<128x128xf32, #tpu.memory_space<vmem>>)
      "tpu.region"() ({
        %run_scoped3A = tpu.sem_alloc : memref<!tpu.dma_semaphore, #tpu.memory_space<semaphore_mem>>
        %dma_start3A_118 = arith.constant 0 : i32
        %dma_start3A_119 = tpu.memref_slice %arg7[%add3A_86, %dma_start3A_118] : memref<40x128xi32, #tpu.memory_space<vmem>> -> memref<1x128xi32, #tpu.memory_space<vmem>>
        %dma_start3A_120 = tpu.memref_squeeze %dma_start3A_119 : memref<1x128xi32, #tpu.memory_space<vmem>> -> memref<128xi32, #tpu.memory_space<vmem>>
        %dma_start3A_121 = arith.constant 0 : i32
        %dma_start3A_122 = arith.constant 0 : i32
        %dma_start3A_123 = tpu.memref_slice %arg10[%dma_start3A_121, %dma_start3A_122] : memref<10240x128xf32, #tpu.memory_space<vmem_shared>> -> memref<10240x128xf32, #tpu.memory_space<vmem_shared>>
        tpu.enqueue_indirect_dma source(%arg9 : memref<128x128xf32, #tpu.memory_space<vmem>>) target(%dma_start3A_123 : memref<10240x128xf32, #tpu.memory_space<vmem_shared>>) offsets(%dma_start3A_120 : memref<128xi32, #tpu.memory_space<vmem>>) semaphore(%run_scoped3A : memref<!tpu.dma_semaphore, #tpu.memory_space<semaphore_mem>>) {add = true}
        %dma_wait3A_124 = arith.constant 0 : i32
        %dma_wait3A_125 = tpu.memref_slice %arg7[%add3A_86, %dma_wait3A_124] : memref<40x128xi32, #tpu.memory_space<vmem>> -> memref<1x128xi32, #tpu.memory_space<vmem>>
        %dma_wait3A_126 = tpu.memref_squeeze %dma_wait3A_125 : memref<1x128xi32, #tpu.memory_space<vmem>> -> memref<128xi32, #tpu.memory_space<vmem>>
        %dma_wait3A_127 = arith.constant 0 : i32
        %dma_wait3A_128 = arith.constant 0 : i32
        %dma_wait3A_129 = tpu.memref_slice %arg10[%dma_wait3A_127, %dma_wait3A_128] : memref<10240x128xf32, #tpu.memory_space<vmem_shared>> -> memref<10240x128xf32, #tpu.memory_space<vmem_shared>>
        tpu.wait_indirect_dma semaphore(%run_scoped3A : memref<!tpu.dma_semaphore, #tpu.memory_space<semaphore_mem>>) src(%arg9 : memref<128x128xf32, #tpu.memory_space<vmem>>) dst(%dma_wait3A_129 : memref<10240x128xf32, #tpu.memory_space<vmem_shared>>)
        tpu.yield
      }) : () -> ()
      %add3A_108 = arith.constant 2 : i32
      %add3A_109 = arith.addi %add3A_86, %add3A_108 : i32
      %rem3A_110 = arith.constant 40 : i32
      %rem3A_111 = arith.remsi %add3A_109, %rem3A_110 : i32
      %dma_start3A_112 = arith.constant 0 : i32
      %dma_start3A_113 = tpu.memref_slice %arg6[%rem3A_111, %dma_start3A_112] : memref<40x128xi32, #tpu.memory_space<vmem>> -> memref<1x128xi32, #tpu.memory_space<vmem>>
      %dma_start3A_114 = tpu.memref_squeeze %dma_start3A_113 : memref<1x128xi32, #tpu.memory_space<vmem>> -> memref<128xi32, #tpu.memory_space<vmem>>
      %dma_start3A_115 = arith.constant 0 : i32
      %dma_start3A_116 = arith.constant 0 : i32
      %dma_start3A_117 = tpu.memref_slice %arg2[%dma_start3A_115, %dma_start3A_116] : memref<10240x128xf32, #tpu.memory_space<hbm>> -> memref<10240x128xf32, #tpu.memory_space<hbm>>
      tpu.enqueue_indirect_dma source(%dma_start3A_117 : memref<10240x128xf32, #tpu.memory_space<hbm>>) target(%arg9 : memref<128x128xf32, #tpu.memory_space<vmem>>) offsets(%dma_start3A_114 : memref<128xi32, #tpu.memory_space<vmem>>) semaphore(%arg12 : memref<!tpu.dma_semaphore, #tpu.memory_space<semaphore_mem>>)
    }
    %scan3A_68 = arith.constant 20 : i32
    %dma_wait3A_69 = arith.constant 0 : i32
    %dma_wait3A_70 = arith.constant 0 : i32
    %dma_wait3A_71 = tpu.memref_slice %arg2[%dma_wait3A_69, %dma_wait3A_70] : memref<10240x128xf32, #tpu.memory_space<hbm>> -> memref<128x128xf32, #tpu.memory_space<hbm>>
    %dma_wait3A_72 = arith.constant 0 : i32
    %dma_wait3A_73 = arith.constant 0 : i32
    %dma_wait3A_74 = tpu.memref_slice %arg2[%dma_wait3A_72, %dma_wait3A_73] : memref<10240x128xf32, #tpu.memory_space<hbm>> -> memref<128x128xf32, #tpu.memory_space<hbm>>
    tpu.wait_dma2 semaphore(%arg11 : memref<!tpu.dma_semaphore, #tpu.memory_space<semaphore_mem>>) src(%dma_wait3A_74 : memref<128x128xf32, #tpu.memory_space<hbm>>) dst(%arg8 : memref<128x128xf32, #tpu.memory_space<vmem>>)
    %dma_wait3A_75 = arith.constant 0 : i32
    %dma_wait3A_76 = arith.constant 0 : i32
    %dma_wait3A_77 = tpu.memref_slice %arg2[%dma_wait3A_75, %dma_wait3A_76] : memref<10240x128xf32, #tpu.memory_space<hbm>> -> memref<128x128xf32, #tpu.memory_space<hbm>>
    %dma_wait3A_78 = arith.constant 0 : i32
    %dma_wait3A_79 = arith.constant 0 : i32
    %dma_wait3A_80 = tpu.memref_slice %arg2[%dma_wait3A_78, %dma_wait3A_79] : memref<10240x128xf32, #tpu.memory_space<hbm>> -> memref<128x128xf32, #tpu.memory_space<hbm>>
    tpu.wait_dma2 semaphore(%arg12 : memref<!tpu.dma_semaphore, #tpu.memory_space<semaphore_mem>>) src(%dma_wait3A_80 : memref<128x128xf32, #tpu.memory_space<hbm>>) dst(%arg9 : memref<128x128xf32, #tpu.memory_space<vmem>>)
    %barrier3A_81 = arith.constant 0 : index
    tpu.barrier barrier_id(%barrier3A_81)
    "tpu.region"() ({
      %run_scoped3A = tpu.sem_alloc : memref<!tpu.dma_semaphore, #tpu.memory_space<semaphore_mem>>
      %dma_start3A_82 = arith.constant 0 : i32
      %dma_start3A_83 = tpu.memref_slice %arg5[%arg0, %mul3A_3, %dma_start3A_82] : memref<2x10240x128xf32, #tpu.memory_space<hbm>> -> memref<1x640x128xf32, #tpu.memory_space<hbm>>
      %dma_start3A_84 = tpu.memref_squeeze %dma_start3A_83 : memref<1x640x128xf32, #tpu.memory_space<hbm>> -> memref<640x128xf32, #tpu.memory_space<hbm>>
      %dma_start3A_85 = arith.constant 0 : i32
      %dma_start3A_86 = tpu.memref_slice %arg10[%mul3A_3, %dma_start3A_85] : memref<10240x128xf32, #tpu.memory_space<vmem_shared>> -> memref<640x128xf32, #tpu.memory_space<vmem_shared>>
      tpu.enqueue_dma source(%dma_start3A_86 : memref<640x128xf32, #tpu.memory_space<vmem_shared>>) target(%dma_start3A_84 : memref<640x128xf32, #tpu.memory_space<hbm>>) target_semaphore(%run_scoped3A : memref<!tpu.dma_semaphore, #tpu.memory_space<semaphore_mem>>)
      %dma_wait3A_87 = arith.constant 0 : i32
      %dma_wait3A_88 = tpu.memref_slice %arg5[%arg0, %mul3A_3, %dma_wait3A_87] : memref<2x10240x128xf32, #tpu.memory_space<hbm>> -> memref<1x640x128xf32, #tpu.memory_space<hbm>>
      %dma_wait3A_89 = tpu.memref_squeeze %dma_wait3A_88 : memref<1x640x128xf32, #tpu.memory_space<hbm>> -> memref<640x128xf32, #tpu.memory_space<hbm>>
      %dma_wait3A_90 = arith.constant 0 : i32
      %dma_wait3A_91 = tpu.memref_slice %arg10[%mul3A_3, %dma_wait3A_90] : memref<10240x128xf32, #tpu.memory_space<vmem_shared>> -> memref<640x128xf32, #tpu.memory_space<vmem_shared>>
      tpu.wait_dma2 semaphore(%run_scoped3A : memref<!tpu.dma_semaphore, #tpu.memory_space<semaphore_mem>>) src(%dma_wait3A_91 : memref<640x128xf32, #tpu.memory_space<vmem_shared>>) dst(%dma_wait3A_89 : memref<640x128xf32, #tpu.memory_space<hbm>>)
      tpu.yield
    }) : () -> ()
    return
  }
}

#map = affine_map<(d0, d1) -> (0, 0)>
#map1 = affine_map<(d0, d1) -> (0, 0, 0)>
module attributes {stable_mosaic.version = 14 : i64} {
  func.func @body(%arg0: i32, %arg1: i32, %arg2: memref<10240x128xf32, #tpu.memory_space<hbm>>, %arg3: memref<32x80x128xi32, #tpu.memory_space<hbm>>, %arg4: memref<32x80x128xi32, #tpu.memory_space<hbm>>, %arg5: memref<2x10240x128xf32, #tpu.memory_space<hbm>>, %arg6: memref<2x10240xf32, #tpu.memory_space<hbm>>, %arg7: memref<40x128xi32, #tpu.memory_space<vmem>>, %arg8: memref<40x128xi32, #tpu.memory_space<vmem>>, %arg9: memref<128x128xf32, #tpu.memory_space<vmem>>, %arg10: memref<128x128xf32, #tpu.memory_space<vmem>>, %arg11: memref<10240x128xf32, #tpu.memory_space<vmem_shared>>, %arg12: memref<!tpu.dma_semaphore, #tpu.memory_space<semaphore_mem>>, %arg13: memref<!tpu.dma_semaphore, #tpu.memory_space<semaphore_mem>>, %arg14: memref<128xf32, #tpu.memory_space<vmem>>, %arg15: memref<640xf32, #tpu.memory_space<vmem>>, %arg16: memref<10240xf32, #tpu.memory_space<vmem_shared>>) attributes {dimension_semantics = [#tpu.dimension_semantics<core_parallel>, #tpu.dimension_semantics<subcore_parallel>], iteration_bounds = array<i64: 2, 16>, scalar_prefetch = 0 : i64, scratch_operands = 10 : i64, tpu.core_type = #tpu.core_type<sc_vector_subcore>, window_params = [{transform_indices = #map}, {transform_indices = #map1}, {transform_indices = #map1}, {transform_indices = #map1}, {transform_indices = #map}]} {
    %mul3A = arith.constant 2 : i32
    %mul3A_0 = arith.muli %arg1, %mul3A : i32
    %add3A = arith.addi %mul3A_0, %arg0 : i32
    %broadcast_in_dim3A = arith.constant 0.000000e+00 : f32
    %broadcast_in_dim3A_1 = vector.broadcast %broadcast_in_dim3A : f32 to vector<16xf32>
    %mul3A_2 = arith.constant 640 : i32
    %mul3A_3 = arith.muli %arg1, %mul3A_2 : i32
    %scan3A = arith.constant 0 : i32
    %scan3A_4 = arith.constant 0 : i32
    %scan3A_5 = arith.constant 128 : i32
    %scan3A_6 = arith.addi %scan3A_4, %scan3A_5 : i32
    %scan3A_7 = arith.constant 1 : i32
    scf.for %scan3A_108 = %scan3A_4 to %scan3A_6 step %scan3A_7  : i32 {
      %swap3A = arith.index_cast %scan3A_108 : i32 to index
      %swap3A_109 = arith.constant 0 : index
      %swap3A_110 = tpu.vector_load %arg9[%swap3A, %swap3A_109] {strides = array<i32>} : memref<128x128xf32, #tpu.memory_space<vmem>>, vector<1x16xf32>,
      %swap3A_111 = vector.shape_cast %swap3A_110 : vector<1x16xf32> to vector<16xf32>
      %swap3A_112 = vector.shape_cast %broadcast_in_dim3A_1 : vector<16xf32> to vector<1x16xf32>
      tpu.vector_store %arg9[%swap3A, %swap3A_109], %swap3A_112 {strides = array<i32>} : memref<128x128xf32, #tpu.memory_space<vmem>>, vector<1x16xf32>,
      %swap3A_113 = arith.index_cast %scan3A_108 : i32 to index
      %swap3A_114 = arith.constant 16 : index
      %swap3A_115 = tpu.vector_load %arg9[%swap3A_113, %swap3A_114] {strides = array<i32>} : memref<128x128xf32, #tpu.memory_space<vmem>>, vector<1x16xf32>,
      %swap3A_116 = vector.shape_cast %swap3A_115 : vector<1x16xf32> to vector<16xf32>
      %swap3A_117 = vector.shape_cast %broadcast_in_dim3A_1 : vector<16xf32> to vector<1x16xf32>
      tpu.vector_store %arg9[%swap3A_113, %swap3A_114], %swap3A_117 {strides = array<i32>} : memref<128x128xf32, #tpu.memory_space<vmem>>, vector<1x16xf32>,
      %swap3A_118 = arith.index_cast %scan3A_108 : i32 to index
      %swap3A_119 = arith.constant 32 : index
      %swap3A_120 = tpu.vector_load %arg9[%swap3A_118, %swap3A_119] {strides = array<i32>} : memref<128x128xf32, #tpu.memory_space<vmem>>, vector<1x16xf32>,
      %swap3A_121 = vector.shape_cast %swap3A_120 : vector<1x16xf32> to vector<16xf32>
      %swap3A_122 = vector.shape_cast %broadcast_in_dim3A_1 : vector<16xf32> to vector<1x16xf32>
      tpu.vector_store %arg9[%swap3A_118, %swap3A_119], %swap3A_122 {strides = array<i32>} : memref<128x128xf32, #tpu.memory_space<vmem>>, vector<1x16xf32>,
      %swap3A_123 = arith.index_cast %scan3A_108 : i32 to index
      %swap3A_124 = arith.constant 48 : index
      %swap3A_125 = tpu.vector_load %arg9[%swap3A_123, %swap3A_124] {strides = array<i32>} : memref<128x128xf32, #tpu.memory_space<vmem>>, vector<1x16xf32>,
      %swap3A_126 = vector.shape_cast %swap3A_125 : vector<1x16xf32> to vector<16xf32>
      %swap3A_127 = vector.shape_cast %broadcast_in_dim3A_1 : vector<16xf32> to vector<1x16xf32>
      tpu.vector_store %arg9[%swap3A_123, %swap3A_124], %swap3A_127 {strides = array<i32>} : memref<128x128xf32, #tpu.memory_space<vmem>>, vector<1x16xf32>,
      %swap3A_128 = arith.index_cast %scan3A_108 : i32 to index
      %swap3A_129 = arith.constant 64 : index
      %swap3A_130 = tpu.vector_load %arg9[%swap3A_128, %swap3A_129] {strides = array<i32>} : memref<128x128xf32, #tpu.memory_space<vmem>>, vector<1x16xf32>,
      %swap3A_131 = vector.shape_cast %swap3A_130 : vector<1x16xf32> to vector<16xf32>
      %swap3A_132 = vector.shape_cast %broadcast_in_dim3A_1 : vector<16xf32> to vector<1x16xf32>
      tpu.vector_store %arg9[%swap3A_128, %swap3A_129], %swap3A_132 {strides = array<i32>} : memref<128x128xf32, #tpu.memory_space<vmem>>, vector<1x16xf32>,
      %swap3A_133 = arith.index_cast %scan3A_108 : i32 to index
      %swap3A_134 = arith.constant 80 : index
      %swap3A_135 = tpu.vector_load %arg9[%swap3A_133, %swap3A_134] {strides = array<i32>} : memref<128x128xf32, #tpu.memory_space<vmem>>, vector<1x16xf32>,
      %swap3A_136 = vector.shape_cast %swap3A_135 : vector<1x16xf32> to vector<16xf32>
      %swap3A_137 = vector.shape_cast %broadcast_in_dim3A_1 : vector<16xf32> to vector<1x16xf32>
      tpu.vector_store %arg9[%swap3A_133, %swap3A_134], %swap3A_137 {strides = array<i32>} : memref<128x128xf32, #tpu.memory_space<vmem>>, vector<1x16xf32>,
      %swap3A_138 = arith.index_cast %scan3A_108 : i32 to index
      %swap3A_139 = arith.constant 96 : index
      %swap3A_140 = tpu.vector_load %arg9[%swap3A_138, %swap3A_139] {strides = array<i32>} : memref<128x128xf32, #tpu.memory_space<vmem>>, vector<1x16xf32>,
      %swap3A_141 = vector.shape_cast %swap3A_140 : vector<1x16xf32> to vector<16xf32>
      %swap3A_142 = vector.shape_cast %broadcast_in_dim3A_1 : vector<16xf32> to vector<1x16xf32>
      tpu.vector_store %arg9[%swap3A_138, %swap3A_139], %swap3A_142 {strides = array<i32>} : memref<128x128xf32, #tpu.memory_space<vmem>>, vector<1x16xf32>,
      %swap3A_143 = arith.index_cast %scan3A_108 : i32 to index
      %swap3A_144 = arith.constant 112 : index
      %swap3A_145 = tpu.vector_load %arg9[%swap3A_143, %swap3A_144] {strides = array<i32>} : memref<128x128xf32, #tpu.memory_space<vmem>>, vector<1x16xf32>,
      %swap3A_146 = vector.shape_cast %swap3A_145 : vector<1x16xf32> to vector<16xf32>
      %swap3A_147 = vector.shape_cast %broadcast_in_dim3A_1 : vector<16xf32> to vector<1x16xf32>
      tpu.vector_store %arg9[%swap3A_143, %swap3A_144], %swap3A_147 {strides = array<i32>} : memref<128x128xf32, #tpu.memory_space<vmem>>, vector<1x16xf32>,
    }
    %scan3A_8 = arith.constant 128 : i32
    %add3A_9 = arith.constant 0 : i32
    %add3A_10 = arith.addi %mul3A_3, %add3A_9 : i32
    "tpu.region"() ({
      %run_scoped3A = tpu.sem_alloc : memref<!tpu.dma_semaphore, #tpu.memory_space<semaphore_mem>>
      %dma_start3A_108 = arith.constant 0 : i32
      %dma_start3A_109 = tpu.memref_slice %arg11[%add3A_10, %dma_start3A_108] : memref<10240x128xf32, #tpu.memory_space<vmem_shared>> -> memref<128x128xf32, #tpu.memory_space<vmem_shared>>
      %dma_start3A_110 = arith.constant 0 : i32
      %dma_start3A_111 = tpu.memref_slice %arg11[%add3A_10, %dma_start3A_110] : memref<10240x128xf32, #tpu.memory_space<vmem_shared>> -> memref<128x128xf32, #tpu.memory_space<vmem_shared>>
      tpu.enqueue_dma source(%arg9 : memref<128x128xf32, #tpu.memory_space<vmem>>) target(%dma_start3A_111 : memref<128x128xf32, #tpu.memory_space<vmem_shared>>) target_semaphore(%run_scoped3A : memref<!tpu.dma_semaphore, #tpu.memory_space<semaphore_mem>>)
      %dma_wait3A_112 = arith.constant 0 : i32
      %dma_wait3A_113 = tpu.memref_slice %arg11[%add3A_10, %dma_wait3A_112] : memref<10240x128xf32, #tpu.memory_space<vmem_shared>> -> memref<128x128xf32, #tpu.memory_space<vmem_shared>>
      %dma_wait3A_114 = arith.constant 0 : i32
      %dma_wait3A_115 = tpu.memref_slice %arg11[%add3A_10, %dma_wait3A_114] : memref<10240x128xf32, #tpu.memory_space<vmem_shared>> -> memref<128x128xf32, #tpu.memory_space<vmem_shared>>
      tpu.wait_dma2 semaphore(%run_scoped3A : memref<!tpu.dma_semaphore, #tpu.memory_space<semaphore_mem>>) src(%arg9 : memref<128x128xf32, #tpu.memory_space<vmem>>) dst(%dma_wait3A_115 : memref<128x128xf32, #tpu.memory_space<vmem_shared>>)
      tpu.yield
    }) : () -> ()
    %add3A_11 = arith.constant 128 : i32
    %add3A_12 = arith.addi %mul3A_3, %add3A_11 : i32
    "tpu.region"() ({
      %run_scoped3A = tpu.sem_alloc : memref<!tpu.dma_semaphore, #tpu.memory_space<semaphore_mem>>
      %dma_start3A_108 = arith.constant 0 : i32
      %dma_start3A_109 = tpu.memref_slice %arg11[%add3A_12, %dma_start3A_108] : memref<10240x128xf32, #tpu.memory_space<vmem_shared>> -> memref<128x128xf32, #tpu.memory_space<vmem_shared>>
      %dma_start3A_110 = arith.constant 0 : i32
      %dma_start3A_111 = tpu.memref_slice %arg11[%add3A_12, %dma_start3A_110] : memref<10240x128xf32, #tpu.memory_space<vmem_shared>> -> memref<128x128xf32, #tpu.memory_space<vmem_shared>>
      tpu.enqueue_dma source(%arg9 : memref<128x128xf32, #tpu.memory_space<vmem>>) target(%dma_start3A_111 : memref<128x128xf32, #tpu.memory_space<vmem_shared>>) target_semaphore(%run_scoped3A : memref<!tpu.dma_semaphore, #tpu.memory_space<semaphore_mem>>)
      %dma_wait3A_112 = arith.constant 0 : i32
      %dma_wait3A_113 = tpu.memref_slice %arg11[%add3A_12, %dma_wait3A_112] : memref<10240x128xf32, #tpu.memory_space<vmem_shared>> -> memref<128x128xf32, #tpu.memory_space<vmem_shared>>
      %dma_wait3A_114 = arith.constant 0 : i32
      %dma_wait3A_115 = tpu.memref_slice %arg11[%add3A_12, %dma_wait3A_114] : memref<10240x128xf32, #tpu.memory_space<vmem_shared>> -> memref<128x128xf32, #tpu.memory_space<vmem_shared>>
      tpu.wait_dma2 semaphore(%run_scoped3A : memref<!tpu.dma_semaphore, #tpu.memory_space<semaphore_mem>>) src(%arg9 : memref<128x128xf32, #tpu.memory_space<vmem>>) dst(%dma_wait3A_115 : memref<128x128xf32, #tpu.memory_space<vmem_shared>>)
      tpu.yield
    }) : () -> ()
    %add3A_13 = arith.constant 256 : i32
    %add3A_14 = arith.addi %mul3A_3, %add3A_13 : i32
    "tpu.region"() ({
      %run_scoped3A = tpu.sem_alloc : memref<!tpu.dma_semaphore, #tpu.memory_space<semaphore_mem>>
      %dma_start3A_108 = arith.constant 0 : i32
      %dma_start3A_109 = tpu.memref_slice %arg11[%add3A_14, %dma_start3A_108] : memref<10240x128xf32, #tpu.memory_space<vmem_shared>> -> memref<128x128xf32, #tpu.memory_space<vmem_shared>>
      %dma_start3A_110 = arith.constant 0 : i32
      %dma_start3A_111 = tpu.memref_slice %arg11[%add3A_14, %dma_start3A_110] : memref<10240x128xf32, #tpu.memory_space<vmem_shared>> -> memref<128x128xf32, #tpu.memory_space<vmem_shared>>
      tpu.enqueue_dma source(%arg9 : memref<128x128xf32, #tpu.memory_space<vmem>>) target(%dma_start3A_111 : memref<128x128xf32, #tpu.memory_space<vmem_shared>>) target_semaphore(%run_scoped3A : memref<!tpu.dma_semaphore, #tpu.memory_space<semaphore_mem>>)
      %dma_wait3A_112 = arith.constant 0 : i32
      %dma_wait3A_113 = tpu.memref_slice %arg11[%add3A_14, %dma_wait3A_112] : memref<10240x128xf32, #tpu.memory_space<vmem_shared>> -> memref<128x128xf32, #tpu.memory_space<vmem_shared>>
      %dma_wait3A_114 = arith.constant 0 : i32
      %dma_wait3A_115 = tpu.memref_slice %arg11[%add3A_14, %dma_wait3A_114] : memref<10240x128xf32, #tpu.memory_space<vmem_shared>> -> memref<128x128xf32, #tpu.memory_space<vmem_shared>>
      tpu.wait_dma2 semaphore(%run_scoped3A : memref<!tpu.dma_semaphore, #tpu.memory_space<semaphore_mem>>) src(%arg9 : memref<128x128xf32, #tpu.memory_space<vmem>>) dst(%dma_wait3A_115 : memref<128x128xf32, #tpu.memory_space<vmem_shared>>)
      tpu.yield
    }) : () -> ()
    %add3A_15 = arith.constant 384 : i32
    %add3A_16 = arith.addi %mul3A_3, %add3A_15 : i32
    "tpu.region"() ({
      %run_scoped3A = tpu.sem_alloc : memref<!tpu.dma_semaphore, #tpu.memory_space<semaphore_mem>>
      %dma_start3A_108 = arith.constant 0 : i32
      %dma_start3A_109 = tpu.memref_slice %arg11[%add3A_16, %dma_start3A_108] : memref<10240x128xf32, #tpu.memory_space<vmem_shared>> -> memref<128x128xf32, #tpu.memory_space<vmem_shared>>
      %dma_start3A_110 = arith.constant 0 : i32
      %dma_start3A_111 = tpu.memref_slice %arg11[%add3A_16, %dma_start3A_110] : memref<10240x128xf32, #tpu.memory_space<vmem_shared>> -> memref<128x128xf32, #tpu.memory_space<vmem_shared>>
      tpu.enqueue_dma source(%arg9 : memref<128x128xf32, #tpu.memory_space<vmem>>) target(%dma_start3A_111 : memref<128x128xf32, #tpu.memory_space<vmem_shared>>) target_semaphore(%run_scoped3A : memref<!tpu.dma_semaphore, #tpu.memory_space<semaphore_mem>>)
      %dma_wait3A_112 = arith.constant 0 : i32
      %dma_wait3A_113 = tpu.memref_slice %arg11[%add3A_16, %dma_wait3A_112] : memref<10240x128xf32, #tpu.memory_space<vmem_shared>> -> memref<128x128xf32, #tpu.memory_space<vmem_shared>>
      %dma_wait3A_114 = arith.constant 0 : i32
      %dma_wait3A_115 = tpu.memref_slice %arg11[%add3A_16, %dma_wait3A_114] : memref<10240x128xf32, #tpu.memory_space<vmem_shared>> -> memref<128x128xf32, #tpu.memory_space<vmem_shared>>
      tpu.wait_dma2 semaphore(%run_scoped3A : memref<!tpu.dma_semaphore, #tpu.memory_space<semaphore_mem>>) src(%arg9 : memref<128x128xf32, #tpu.memory_space<vmem>>) dst(%dma_wait3A_115 : memref<128x128xf32, #tpu.memory_space<vmem_shared>>)
      tpu.yield
    }) : () -> ()
    %add3A_17 = arith.constant 512 : i32
    %add3A_18 = arith.addi %mul3A_3, %add3A_17 : i32
    "tpu.region"() ({
      %run_scoped3A = tpu.sem_alloc : memref<!tpu.dma_semaphore, #tpu.memory_space<semaphore_mem>>
      %dma_start3A_108 = arith.constant 0 : i32
      %dma_start3A_109 = tpu.memref_slice %arg11[%add3A_18, %dma_start3A_108] : memref<10240x128xf32, #tpu.memory_space<vmem_shared>> -> memref<128x128xf32, #tpu.memory_space<vmem_shared>>
      %dma_start3A_110 = arith.constant 0 : i32
      %dma_start3A_111 = tpu.memref_slice %arg11[%add3A_18, %dma_start3A_110] : memref<10240x128xf32, #tpu.memory_space<vmem_shared>> -> memref<128x128xf32, #tpu.memory_space<vmem_shared>>
      tpu.enqueue_dma source(%arg9 : memref<128x128xf32, #tpu.memory_space<vmem>>) target(%dma_start3A_111 : memref<128x128xf32, #tpu.memory_space<vmem_shared>>) target_semaphore(%run_scoped3A : memref<!tpu.dma_semaphore, #tpu.memory_space<semaphore_mem>>)
      %dma_wait3A_112 = arith.constant 0 : i32
      %dma_wait3A_113 = tpu.memref_slice %arg11[%add3A_18, %dma_wait3A_112] : memref<10240x128xf32, #tpu.memory_space<vmem_shared>> -> memref<128x128xf32, #tpu.memory_space<vmem_shared>>
      %dma_wait3A_114 = arith.constant 0 : i32
      %dma_wait3A_115 = tpu.memref_slice %arg11[%add3A_18, %dma_wait3A_114] : memref<10240x128xf32, #tpu.memory_space<vmem_shared>> -> memref<128x128xf32, #tpu.memory_space<vmem_shared>>
      tpu.wait_dma2 semaphore(%run_scoped3A : memref<!tpu.dma_semaphore, #tpu.memory_space<semaphore_mem>>) src(%arg9 : memref<128x128xf32, #tpu.memory_space<vmem>>) dst(%dma_wait3A_115 : memref<128x128xf32, #tpu.memory_space<vmem_shared>>)
      tpu.yield
    }) : () -> ()
    %broadcast_in_dim3A_19 = arith.constant 1.000000e+00 : f32
    %broadcast_in_dim3A_20 = vector.broadcast %broadcast_in_dim3A_19 : f32 to vector<16xf32>
    %scan3A_21 = arith.constant 0 : i32
    %scan3A_22 = arith.constant 0 : i32
    %scan3A_23 = arith.constant 8 : i32
    %scan3A_24 = arith.addi %scan3A_22, %scan3A_23 : i32
    %scan3A_25 = arith.constant 1 : i32
    scf.for %scan3A_108 = %scan3A_22 to %scan3A_24 step %scan3A_25  : i32 {
      %mul3A_109 = arith.constant 16 : i32
      %mul3A_110 = arith.muli %scan3A_108, %mul3A_109 : i32
      %swap3A = arith.index_cast %mul3A_110 : i32 to index
      %swap3A_111 = tpu.vector_load %arg14[%swap3A] {strides = array<i32>} : memref<128xf32, #tpu.memory_space<vmem>>, vector<16xf32>,
      %swap3A_112 = vector.shape_cast %swap3A_111 : vector<16xf32> to vector<16xf32>
      %swap3A_113 = vector.shape_cast %broadcast_in_dim3A_20 : vector<16xf32> to vector<16xf32>
      tpu.vector_store %arg14[%swap3A], %swap3A_113 {strides = array<i32>} : memref<128xf32, #tpu.memory_space<vmem>>, vector<16xf32>,
    }
    %scan3A_26 = arith.constant 8 : i32
    %scan3A_27 = arith.constant 0 : i32
    %scan3A_28 = arith.constant 0 : i32
    %scan3A_29 = arith.constant 40 : i32
    %scan3A_30 = arith.addi %scan3A_28, %scan3A_29 : i32
    %scan3A_31 = arith.constant 1 : i32
    scf.for %scan3A_108 = %scan3A_28 to %scan3A_30 step %scan3A_31  : i32 {
      %mul3A_109 = arith.constant 16 : i32
      %mul3A_110 = arith.muli %scan3A_108, %mul3A_109 : i32
      %swap3A = arith.index_cast %mul3A_110 : i32 to index
      %swap3A_111 = tpu.vector_load %arg15[%swap3A] {strides = array<i32>} : memref<640xf32, #tpu.memory_space<vmem>>, vector<16xf32>,
      %swap3A_112 = vector.shape_cast %swap3A_111 : vector<16xf32> to vector<16xf32>
      %swap3A_113 = vector.shape_cast %broadcast_in_dim3A_1 : vector<16xf32> to vector<16xf32>
      tpu.vector_store %arg15[%swap3A], %swap3A_113 {strides = array<i32>} : memref<640xf32, #tpu.memory_space<vmem>>, vector<16xf32>,
    }
    %scan3A_32 = arith.constant 40 : i32
    "tpu.region"() ({
      %run_scoped3A = tpu.sem_alloc : memref<!tpu.dma_semaphore, #tpu.memory_space<semaphore_mem>>
      %dma_start3A_108 = tpu.memref_slice %arg16[%mul3A_3] : memref<10240xf32, #tpu.memory_space<vmem_shared>> -> memref<640xf32, #tpu.memory_space<vmem_shared>>
      %dma_start3A_109 = tpu.memref_slice %arg16[%mul3A_3] : memref<10240xf32, #tpu.memory_space<vmem_shared>> -> memref<640xf32, #tpu.memory_space<vmem_shared>>
      tpu.enqueue_dma source(%arg15 : memref<640xf32, #tpu.memory_space<vmem>>) target(%dma_start3A_109 : memref<640xf32, #tpu.memory_space<vmem_shared>>) target_semaphore(%run_scoped3A : memref<!tpu.dma_semaphore, #tpu.memory_space<semaphore_mem>>)
      %dma_wait3A_110 = tpu.memref_slice %arg16[%mul3A_3] : memref<10240xf32, #tpu.memory_space<vmem_shared>> -> memref<640xf32, #tpu.memory_space<vmem_shared>>
      %dma_wait3A_111 = tpu.memref_slice %arg16[%mul3A_3] : memref<10240xf32, #tpu.memory_space<vmem_shared>> -> memref<640xf32, #tpu.memory_space<vmem_shared>>
      tpu.wait_dma2 semaphore(%run_scoped3A : memref<!tpu.dma_semaphore, #tpu.memory_space<semaphore_mem>>) src(%arg15 : memref<640xf32, #tpu.memory_space<vmem>>) dst(%dma_wait3A_111 : memref<640xf32, #tpu.memory_space<vmem_shared>>)
      tpu.yield
    }) : () -> ()
    %barrier3A = arith.constant 0 : index
    tpu.barrier barrier_id(%barrier3A)
    "tpu.region"() ({
      %run_scoped3A = tpu.sem_alloc : memref<!tpu.dma_semaphore, #tpu.memory_space<semaphore_mem>>
      %dma_start3A_108 = arith.constant 0 : i32
      %dma_start3A_109 = arith.constant 0 : i32
      %dma_start3A_110 = tpu.memref_slice %arg3[%add3A, %dma_start3A_108, %dma_start3A_109] : memref<32x80x128xi32, #tpu.memory_space<hbm>> -> memref<1x40x128xi32, #tpu.memory_space<hbm>>
      %dma_start3A_111 = tpu.memref_squeeze %dma_start3A_110 : memref<1x40x128xi32, #tpu.memory_space<hbm>> -> memref<40x128xi32, #tpu.memory_space<hbm>>
      %dma_start3A_112 = arith.constant 0 : i32
      %dma_start3A_113 = arith.constant 0 : i32
      %dma_start3A_114 = tpu.memref_slice %arg3[%add3A, %dma_start3A_112, %dma_start3A_113] : memref<32x80x128xi32, #tpu.memory_space<hbm>> -> memref<1x40x128xi32, #tpu.memory_space<hbm>>
      %dma_start3A_115 = tpu.memref_squeeze %dma_start3A_114 : memref<1x40x128xi32, #tpu.memory_space<hbm>> -> memref<40x128xi32, #tpu.memory_space<hbm>>
      tpu.enqueue_dma source(%dma_start3A_115 : memref<40x128xi32, #tpu.memory_space<hbm>>) target(%arg7 : memref<40x128xi32, #tpu.memory_space<vmem>>) target_semaphore(%run_scoped3A : memref<!tpu.dma_semaphore, #tpu.memory_space<semaphore_mem>>)
      %dma_wait3A_116 = arith.constant 0 : i32
      %dma_wait3A_117 = arith.constant 0 : i32
      %dma_wait3A_118 = tpu.memref_slice %arg3[%add3A, %dma_wait3A_116, %dma_wait3A_117] : memref<32x80x128xi32, #tpu.memory_space<hbm>> -> memref<1x40x128xi32, #tpu.memory_space<hbm>>
      %dma_wait3A_119 = tpu.memref_squeeze %dma_wait3A_118 : memref<1x40x128xi32, #tpu.memory_space<hbm>> -> memref<40x128xi32, #tpu.memory_space<hbm>>
      %dma_wait3A_120 = arith.constant 0 : i32
      %dma_wait3A_121 = arith.constant 0 : i32
      %dma_wait3A_122 = tpu.memref_slice %arg3[%add3A, %dma_wait3A_120, %dma_wait3A_121] : memref<32x80x128xi32, #tpu.memory_space<hbm>> -> memref<1x40x128xi32, #tpu.memory_space<hbm>>
      %dma_wait3A_123 = tpu.memref_squeeze %dma_wait3A_122 : memref<1x40x128xi32, #tpu.memory_space<hbm>> -> memref<40x128xi32, #tpu.memory_space<hbm>>
      tpu.wait_dma2 semaphore(%run_scoped3A : memref<!tpu.dma_semaphore, #tpu.memory_space<semaphore_mem>>) src(%dma_wait3A_123 : memref<40x128xi32, #tpu.memory_space<hbm>>) dst(%arg7 : memref<40x128xi32, #tpu.memory_space<vmem>>)
      tpu.yield
    }) : () -> ()
    "tpu.region"() ({
      %run_scoped3A = tpu.sem_alloc : memref<!tpu.dma_semaphore, #tpu.memory_space<semaphore_mem>>
      %dma_start3A_108 = arith.constant 0 : i32
      %dma_start3A_109 = arith.constant 0 : i32
      %dma_start3A_110 = tpu.memref_slice %arg4[%add3A, %dma_start3A_108, %dma_start3A_109] : memref<32x80x128xi32, #tpu.memory_space<hbm>> -> memref<1x40x128xi32, #tpu.memory_space<hbm>>
      %dma_start3A_111 = tpu.memref_squeeze %dma_start3A_110 : memref<1x40x128xi32, #tpu.memory_space<hbm>> -> memref<40x128xi32, #tpu.memory_space<hbm>>
      %dma_start3A_112 = arith.constant 0 : i32
      %dma_start3A_113 = arith.constant 0 : i32
      %dma_start3A_114 = tpu.memref_slice %arg4[%add3A, %dma_start3A_112, %dma_start3A_113] : memref<32x80x128xi32, #tpu.memory_space<hbm>> -> memref<1x40x128xi32, #tpu.memory_space<hbm>>
      %dma_start3A_115 = tpu.memref_squeeze %dma_start3A_114 : memref<1x40x128xi32, #tpu.memory_space<hbm>> -> memref<40x128xi32, #tpu.memory_space<hbm>>
      tpu.enqueue_dma source(%dma_start3A_115 : memref<40x128xi32, #tpu.memory_space<hbm>>) target(%arg8 : memref<40x128xi32, #tpu.memory_space<vmem>>) target_semaphore(%run_scoped3A : memref<!tpu.dma_semaphore, #tpu.memory_space<semaphore_mem>>)
      %dma_wait3A_116 = arith.constant 0 : i32
      %dma_wait3A_117 = arith.constant 0 : i32
      %dma_wait3A_118 = tpu.memref_slice %arg4[%add3A, %dma_wait3A_116, %dma_wait3A_117] : memref<32x80x128xi32, #tpu.memory_space<hbm>> -> memref<1x40x128xi32, #tpu.memory_space<hbm>>
      %dma_wait3A_119 = tpu.memref_squeeze %dma_wait3A_118 : memref<1x40x128xi32, #tpu.memory_space<hbm>> -> memref<40x128xi32, #tpu.memory_space<hbm>>
      %dma_wait3A_120 = arith.constant 0 : i32
      %dma_wait3A_121 = arith.constant 0 : i32
      %dma_wait3A_122 = tpu.memref_slice %arg4[%add3A, %dma_wait3A_120, %dma_wait3A_121] : memref<32x80x128xi32, #tpu.memory_space<hbm>> -> memref<1x40x128xi32, #tpu.memory_space<hbm>>
      %dma_wait3A_123 = tpu.memref_squeeze %dma_wait3A_122 : memref<1x40x128xi32, #tpu.memory_space<hbm>> -> memref<40x128xi32, #tpu.memory_space<hbm>>
      tpu.wait_dma2 semaphore(%run_scoped3A : memref<!tpu.dma_semaphore, #tpu.memory_space<semaphore_mem>>) src(%dma_wait3A_123 : memref<40x128xi32, #tpu.memory_space<hbm>>) dst(%arg8 : memref<40x128xi32, #tpu.memory_space<vmem>>)
      tpu.yield
    }) : () -> ()
    %dma_start3A = arith.constant 0 : i32
    %dma_start3A_33 = arith.constant 0 : i32
    %dma_start3A_34 = tpu.memref_slice %arg7[%dma_start3A, %dma_start3A_33] : memref<40x128xi32, #tpu.memory_space<vmem>> -> memref<1x128xi32, #tpu.memory_space<vmem>>
    %dma_start3A_35 = tpu.memref_squeeze %dma_start3A_34 : memref<1x128xi32, #tpu.memory_space<vmem>> -> memref<128xi32, #tpu.memory_space<vmem>>
    %dma_start3A_36 = arith.constant 0 : i32
    %dma_start3A_37 = arith.constant 0 : i32
    %dma_start3A_38 = tpu.memref_slice %arg2[%dma_start3A_36, %dma_start3A_37] : memref<10240x128xf32, #tpu.memory_space<hbm>> -> memref<10240x128xf32, #tpu.memory_space<hbm>>
    tpu.enqueue_indirect_dma source(%dma_start3A_38 : memref<10240x128xf32, #tpu.memory_space<hbm>>) target(%arg9 : memref<128x128xf32, #tpu.memory_space<vmem>>) offsets(%dma_start3A_35 : memref<128xi32, #tpu.memory_space<vmem>>) semaphore(%arg12 : memref<!tpu.dma_semaphore, #tpu.memory_space<semaphore_mem>>)
    %dma_start3A_39 = arith.constant 1 : i32
    %dma_start3A_40 = arith.constant 0 : i32
    %dma_start3A_41 = tpu.memref_slice %arg7[%dma_start3A_39, %dma_start3A_40] : memref<40x128xi32, #tpu.memory_space<vmem>> -> memref<1x128xi32, #tpu.memory_space<vmem>>
    %dma_start3A_42 = tpu.memref_squeeze %dma_start3A_41 : memref<1x128xi32, #tpu.memory_space<vmem>> -> memref<128xi32, #tpu.memory_space<vmem>>
    %dma_start3A_43 = arith.constant 0 : i32
    %dma_start3A_44 = arith.constant 0 : i32
    %dma_start3A_45 = tpu.memref_slice %arg2[%dma_start3A_43, %dma_start3A_44] : memref<10240x128xf32, #tpu.memory_space<hbm>> -> memref<10240x128xf32, #tpu.memory_space<hbm>>
    tpu.enqueue_indirect_dma source(%dma_start3A_45 : memref<10240x128xf32, #tpu.memory_space<hbm>>) target(%arg10 : memref<128x128xf32, #tpu.memory_space<vmem>>) offsets(%dma_start3A_42 : memref<128xi32, #tpu.memory_space<vmem>>) semaphore(%arg13 : memref<!tpu.dma_semaphore, #tpu.memory_space<semaphore_mem>>)
    %scan3A_46 = arith.constant 0 : i32
    %scan3A_47 = arith.constant 0 : i32
    %scan3A_48 = arith.constant 20 : i32
    %scan3A_49 = arith.addi %scan3A_47, %scan3A_48 : i32
    %scan3A_50 = arith.constant 1 : i32
    scf.for %scan3A_108 = %scan3A_47 to %scan3A_49 step %scan3A_50  : i32 {
      %mul3A_109 = arith.constant 2 : i32
      %mul3A_110 = arith.muli %mul3A_109, %scan3A_108 : i32
      %add3A_111 = arith.constant 1 : i32
      %add3A_112 = arith.addi %mul3A_110, %add3A_111 : i32
      %dma_wait3A_113 = arith.constant 0 : i32
      %dma_wait3A_114 = arith.constant 0 : i32
      %dma_wait3A_115 = tpu.memref_slice %arg2[%dma_wait3A_113, %dma_wait3A_114] : memref<10240x128xf32, #tpu.memory_space<hbm>> -> memref<128x128xf32, #tpu.memory_space<hbm>>
      %dma_wait3A_116 = arith.constant 0 : i32
      %dma_wait3A_117 = arith.constant 0 : i32
      %dma_wait3A_118 = tpu.memref_slice %arg2[%dma_wait3A_116, %dma_wait3A_117] : memref<10240x128xf32, #tpu.memory_space<hbm>> -> memref<128x128xf32, #tpu.memory_space<hbm>>
      tpu.wait_dma2 semaphore(%arg12 : memref<!tpu.dma_semaphore, #tpu.memory_space<semaphore_mem>>) src(%dma_wait3A_118 : memref<128x128xf32, #tpu.memory_space<hbm>>) dst(%arg9 : memref<128x128xf32, #tpu.memory_space<vmem>>)
      "tpu.region"() ({
        %run_scoped3A = tpu.sem_alloc : memref<!tpu.dma_semaphore, #tpu.memory_space<semaphore_mem>>
        %dma_start3A_144 = arith.constant 0 : i32
        %dma_start3A_145 = tpu.memref_slice %arg8[%mul3A_110, %dma_start3A_144] : memref<40x128xi32, #tpu.memory_space<vmem>> -> memref<1x128xi32, #tpu.memory_space<vmem>>
        %dma_start3A_146 = tpu.memref_squeeze %dma_start3A_145 : memref<1x128xi32, #tpu.memory_space<vmem>> -> memref<128xi32, #tpu.memory_space<vmem>>
        %dma_start3A_147 = arith.constant 0 : i32
        %dma_start3A_148 = arith.constant 0 : i32
        %dma_start3A_149 = tpu.memref_slice %arg11[%dma_start3A_147, %dma_start3A_148] : memref<10240x128xf32, #tpu.memory_space<vmem_shared>> -> memref<10240x128xf32, #tpu.memory_space<vmem_shared>>
        tpu.enqueue_indirect_dma source(%arg9 : memref<128x128xf32, #tpu.memory_space<vmem>>) target(%dma_start3A_149 : memref<10240x128xf32, #tpu.memory_space<vmem_shared>>) offsets(%dma_start3A_146 : memref<128xi32, #tpu.memory_space<vmem>>) semaphore(%run_scoped3A : memref<!tpu.dma_semaphore, #tpu.memory_space<semaphore_mem>>) {add = true}
        %dma_wait3A_150 = arith.constant 0 : i32
        %dma_wait3A_151 = tpu.memref_slice %arg8[%mul3A_110, %dma_wait3A_150] : memref<40x128xi32, #tpu.memory_space<vmem>> -> memref<1x128xi32, #tpu.memory_space<vmem>>
        %dma_wait3A_152 = tpu.memref_squeeze %dma_wait3A_151 : memref<1x128xi32, #tpu.memory_space<vmem>> -> memref<128xi32, #tpu.memory_space<vmem>>
        %dma_wait3A_153 = arith.constant 0 : i32
        %dma_wait3A_154 = arith.constant 0 : i32
        %dma_wait3A_155 = tpu.memref_slice %arg11[%dma_wait3A_153, %dma_wait3A_154] : memref<10240x128xf32, #tpu.memory_space<vmem_shared>> -> memref<10240x128xf32, #tpu.memory_space<vmem_shared>>
        tpu.wait_indirect_dma semaphore(%run_scoped3A : memref<!tpu.dma_semaphore, #tpu.memory_space<semaphore_mem>>) src(%arg9 : memref<128x128xf32, #tpu.memory_space<vmem>>) dst(%dma_wait3A_155 : memref<10240x128xf32, #tpu.memory_space<vmem_shared>>)
        tpu.yield
      }) : () -> ()
      %add3A_119 = arith.constant 2 : i32
      %add3A_120 = arith.addi %mul3A_110, %add3A_119 : i32
      %rem3A = arith.constant 40 : i32
      %rem3A_121 = arith.remsi %add3A_120, %rem3A : i32
      %dma_start3A_122 = arith.constant 0 : i32
      %dma_start3A_123 = tpu.memref_slice %arg7[%rem3A_121, %dma_start3A_122] : memref<40x128xi32, #tpu.memory_space<vmem>> -> memref<1x128xi32, #tpu.memory_space<vmem>>
      %dma_start3A_124 = tpu.memref_squeeze %dma_start3A_123 : memref<1x128xi32, #tpu.memory_space<vmem>> -> memref<128xi32, #tpu.memory_space<vmem>>
      %dma_start3A_125 = arith.constant 0 : i32
      %dma_start3A_126 = arith.constant 0 : i32
      %dma_start3A_127 = tpu.memref_slice %arg2[%dma_start3A_125, %dma_start3A_126] : memref<10240x128xf32, #tpu.memory_space<hbm>> -> memref<10240x128xf32, #tpu.memory_space<hbm>>
      tpu.enqueue_indirect_dma source(%dma_start3A_127 : memref<10240x128xf32, #tpu.memory_space<hbm>>) target(%arg9 : memref<128x128xf32, #tpu.memory_space<vmem>>) offsets(%dma_start3A_124 : memref<128xi32, #tpu.memory_space<vmem>>) semaphore(%arg12 : memref<!tpu.dma_semaphore, #tpu.memory_space<semaphore_mem>>)
      %dma_wait3A_128 = arith.constant 0 : i32
      %dma_wait3A_129 = arith.constant 0 : i32
      %dma_wait3A_130 = tpu.memref_slice %arg2[%dma_wait3A_128, %dma_wait3A_129] : memref<10240x128xf32, #tpu.memory_space<hbm>> -> memref<128x128xf32, #tpu.memory_space<hbm>>
      %dma_wait3A_131 = arith.constant 0 : i32
      %dma_wait3A_132 = arith.constant 0 : i32
      %dma_wait3A_133 = tpu.memref_slice %arg2[%dma_wait3A_131, %dma_wait3A_132] : memref<10240x128xf32, #tpu.memory_space<hbm>> -> memref<128x128xf32, #tpu.memory_space<hbm>>
      tpu.wait_dma2 semaphore(%arg13 : memref<!tpu.dma_semaphore, #tpu.memory_space<semaphore_mem>>) src(%dma_wait3A_133 : memref<128x128xf32, #tpu.memory_space<hbm>>) dst(%arg10 : memref<128x128xf32, #tpu.memory_space<vmem>>)
      "tpu.region"() ({
        %run_scoped3A = tpu.sem_alloc : memref<!tpu.dma_semaphore, #tpu.memory_space<semaphore_mem>>
        %dma_start3A_144 = arith.constant 0 : i32
        %dma_start3A_145 = tpu.memref_slice %arg8[%add3A_112, %dma_start3A_144] : memref<40x128xi32, #tpu.memory_space<vmem>> -> memref<1x128xi32, #tpu.memory_space<vmem>>
        %dma_start3A_146 = tpu.memref_squeeze %dma_start3A_145 : memref<1x128xi32, #tpu.memory_space<vmem>> -> memref<128xi32, #tpu.memory_space<vmem>>
        %dma_start3A_147 = arith.constant 0 : i32
        %dma_start3A_148 = arith.constant 0 : i32
        %dma_start3A_149 = tpu.memref_slice %arg11[%dma_start3A_147, %dma_start3A_148] : memref<10240x128xf32, #tpu.memory_space<vmem_shared>> -> memref<10240x128xf32, #tpu.memory_space<vmem_shared>>
        tpu.enqueue_indirect_dma source(%arg10 : memref<128x128xf32, #tpu.memory_space<vmem>>) target(%dma_start3A_149 : memref<10240x128xf32, #tpu.memory_space<vmem_shared>>) offsets(%dma_start3A_146 : memref<128xi32, #tpu.memory_space<vmem>>) semaphore(%run_scoped3A : memref<!tpu.dma_semaphore, #tpu.memory_space<semaphore_mem>>) {add = true}
        %dma_wait3A_150 = arith.constant 0 : i32
        %dma_wait3A_151 = tpu.memref_slice %arg8[%add3A_112, %dma_wait3A_150] : memref<40x128xi32, #tpu.memory_space<vmem>> -> memref<1x128xi32, #tpu.memory_space<vmem>>
        %dma_wait3A_152 = tpu.memref_squeeze %dma_wait3A_151 : memref<1x128xi32, #tpu.memory_space<vmem>> -> memref<128xi32, #tpu.memory_space<vmem>>
        %dma_wait3A_153 = arith.constant 0 : i32
        %dma_wait3A_154 = arith.constant 0 : i32
        %dma_wait3A_155 = tpu.memref_slice %arg11[%dma_wait3A_153, %dma_wait3A_154] : memref<10240x128xf32, #tpu.memory_space<vmem_shared>> -> memref<10240x128xf32, #tpu.memory_space<vmem_shared>>
        tpu.wait_indirect_dma semaphore(%run_scoped3A : memref<!tpu.dma_semaphore, #tpu.memory_space<semaphore_mem>>) src(%arg10 : memref<128x128xf32, #tpu.memory_space<vmem>>) dst(%dma_wait3A_155 : memref<10240x128xf32, #tpu.memory_space<vmem_shared>>)
        tpu.yield
      }) : () -> ()
      %add3A_134 = arith.constant 2 : i32
      %add3A_135 = arith.addi %add3A_112, %add3A_134 : i32
      %rem3A_136 = arith.constant 40 : i32
      %rem3A_137 = arith.remsi %add3A_135, %rem3A_136 : i32
      %dma_start3A_138 = arith.constant 0 : i32
      %dma_start3A_139 = tpu.memref_slice %arg7[%rem3A_137, %dma_start3A_138] : memref<40x128xi32, #tpu.memory_space<vmem>> -> memref<1x128xi32, #tpu.memory_space<vmem>>
      %dma_start3A_140 = tpu.memref_squeeze %dma_start3A_139 : memref<1x128xi32, #tpu.memory_space<vmem>> -> memref<128xi32, #tpu.memory_space<vmem>>
      %dma_start3A_141 = arith.constant 0 : i32
      %dma_start3A_142 = arith.constant 0 : i32
      %dma_start3A_143 = tpu.memref_slice %arg2[%dma_start3A_141, %dma_start3A_142] : memref<10240x128xf32, #tpu.memory_space<hbm>> -> memref<10240x128xf32, #tpu.memory_space<hbm>>
      tpu.enqueue_indirect_dma source(%dma_start3A_143 : memref<10240x128xf32, #tpu.memory_space<hbm>>) target(%arg10 : memref<128x128xf32, #tpu.memory_space<vmem>>) offsets(%dma_start3A_140 : memref<128xi32, #tpu.memory_space<vmem>>) semaphore(%arg13 : memref<!tpu.dma_semaphore, #tpu.memory_space<semaphore_mem>>)
    }
    %scan3A_51 = arith.constant 20 : i32
    %dma_wait3A = arith.constant 0 : i32
    %dma_wait3A_52 = arith.constant 0 : i32
    %dma_wait3A_53 = tpu.memref_slice %arg2[%dma_wait3A, %dma_wait3A_52] : memref<10240x128xf32, #tpu.memory_space<hbm>> -> memref<128x128xf32, #tpu.memory_space<hbm>>
    %dma_wait3A_54 = arith.constant 0 : i32
    %dma_wait3A_55 = arith.constant 0 : i32
    %dma_wait3A_56 = tpu.memref_slice %arg2[%dma_wait3A_54, %dma_wait3A_55] : memref<10240x128xf32, #tpu.memory_space<hbm>> -> memref<128x128xf32, #tpu.memory_space<hbm>>
    tpu.wait_dma2 semaphore(%arg12 : memref<!tpu.dma_semaphore, #tpu.memory_space<semaphore_mem>>) src(%dma_wait3A_56 : memref<128x128xf32, #tpu.memory_space<hbm>>) dst(%arg9 : memref<128x128xf32, #tpu.memory_space<vmem>>)
    %dma_wait3A_57 = arith.constant 0 : i32
    %dma_wait3A_58 = arith.constant 0 : i32
    %dma_wait3A_59 = tpu.memref_slice %arg2[%dma_wait3A_57, %dma_wait3A_58] : memref<10240x128xf32, #tpu.memory_space<hbm>> -> memref<128x128xf32, #tpu.memory_space<hbm>>
    %dma_wait3A_60 = arith.constant 0 : i32
    %dma_wait3A_61 = arith.constant 0 : i32
    %dma_wait3A_62 = tpu.memref_slice %arg2[%dma_wait3A_60, %dma_wait3A_61] : memref<10240x128xf32, #tpu.memory_space<hbm>> -> memref<128x128xf32, #tpu.memory_space<hbm>>
    tpu.wait_dma2 semaphore(%arg13 : memref<!tpu.dma_semaphore, #tpu.memory_space<semaphore_mem>>) src(%dma_wait3A_62 : memref<128x128xf32, #tpu.memory_space<hbm>>) dst(%arg10 : memref<128x128xf32, #tpu.memory_space<vmem>>)
    %scan3A_63 = arith.constant 0 : i32
    %scan3A_64 = arith.constant 0 : i32
    %scan3A_65 = arith.constant 40 : i32
    %scan3A_66 = arith.addi %scan3A_64, %scan3A_65 : i32
    %scan3A_67 = arith.constant 1 : i32
    scf.for %scan3A_108 = %scan3A_64 to %scan3A_66 step %scan3A_67  : i32 {
      "tpu.region"() ({
        %run_scoped3A = tpu.sem_alloc : memref<!tpu.dma_semaphore, #tpu.memory_space<semaphore_mem>>
        %dma_start3A_109 = arith.constant 0 : i32
        %dma_start3A_110 = tpu.memref_slice %arg8[%scan3A_108, %dma_start3A_109] : memref<40x128xi32, #tpu.memory_space<vmem>> -> memref<1x128xi32, #tpu.memory_space<vmem>>
        %dma_start3A_111 = tpu.memref_squeeze %dma_start3A_110 : memref<1x128xi32, #tpu.memory_space<vmem>> -> memref<128xi32, #tpu.memory_space<vmem>>
        %dma_start3A_112 = arith.constant 0 : i32
        %dma_start3A_113 = tpu.memref_slice %arg16[%dma_start3A_112] : memref<10240xf32, #tpu.memory_space<vmem_shared>> -> memref<10240xf32, #tpu.memory_space<vmem_shared>>
        tpu.enqueue_indirect_dma source(%arg14 : memref<128xf32, #tpu.memory_space<vmem>>) target(%dma_start3A_113 : memref<10240xf32, #tpu.memory_space<vmem_shared>>) offsets(%dma_start3A_111 : memref<128xi32, #tpu.memory_space<vmem>>) semaphore(%run_scoped3A : memref<!tpu.dma_semaphore, #tpu.memory_space<semaphore_mem>>) {add = true}
        %dma_wait3A_114 = arith.constant 0 : i32
        %dma_wait3A_115 = tpu.memref_slice %arg8[%scan3A_108, %dma_wait3A_114] : memref<40x128xi32, #tpu.memory_space<vmem>> -> memref<1x128xi32, #tpu.memory_space<vmem>>
        %dma_wait3A_116 = tpu.memref_squeeze %dma_wait3A_115 : memref<1x128xi32, #tpu.memory_space<vmem>> -> memref<128xi32, #tpu.memory_space<vmem>>
        %dma_wait3A_117 = arith.constant 0 : i32
        %dma_wait3A_118 = tpu.memref_slice %arg16[%dma_wait3A_117] : memref<10240xf32, #tpu.memory_space<vmem_shared>> -> memref<10240xf32, #tpu.memory_space<vmem_shared>>
        tpu.wait_indirect_dma semaphore(%run_scoped3A : memref<!tpu.dma_semaphore, #tpu.memory_space<semaphore_mem>>) src(%arg14 : memref<128xf32, #tpu.memory_space<vmem>>) dst(%dma_wait3A_118 : memref<10240xf32, #tpu.memory_space<vmem_shared>>)
        tpu.yield
      }) : () -> ()
    }
    %scan3A_68 = arith.constant 40 : i32
    "tpu.region"() ({
      %run_scoped3A = tpu.sem_alloc : memref<!tpu.dma_semaphore, #tpu.memory_space<semaphore_mem>>
      %dma_start3A_108 = arith.constant 40 : i32
      %dma_start3A_109 = arith.constant 0 : i32
      %dma_start3A_110 = tpu.memref_slice %arg3[%add3A, %dma_start3A_108, %dma_start3A_109] : memref<32x80x128xi32, #tpu.memory_space<hbm>> -> memref<1x40x128xi32, #tpu.memory_space<hbm>>
      %dma_start3A_111 = tpu.memref_squeeze %dma_start3A_110 : memref<1x40x128xi32, #tpu.memory_space<hbm>> -> memref<40x128xi32, #tpu.memory_space<hbm>>
      %dma_start3A_112 = arith.constant 40 : i32
      %dma_start3A_113 = arith.constant 0 : i32
      %dma_start3A_114 = tpu.memref_slice %arg3[%add3A, %dma_start3A_112, %dma_start3A_113] : memref<32x80x128xi32, #tpu.memory_space<hbm>> -> memref<1x40x128xi32, #tpu.memory_space<hbm>>
      %dma_start3A_115 = tpu.memref_squeeze %dma_start3A_114 : memref<1x40x128xi32, #tpu.memory_space<hbm>> -> memref<40x128xi32, #tpu.memory_space<hbm>>
      tpu.enqueue_dma source(%dma_start3A_115 : memref<40x128xi32, #tpu.memory_space<hbm>>) target(%arg7 : memref<40x128xi32, #tpu.memory_space<vmem>>) target_semaphore(%run_scoped3A : memref<!tpu.dma_semaphore, #tpu.memory_space<semaphore_mem>>)
      %dma_wait3A_116 = arith.constant 40 : i32
      %dma_wait3A_117 = arith.constant 0 : i32
      %dma_wait3A_118 = tpu.memref_slice %arg3[%add3A, %dma_wait3A_116, %dma_wait3A_117] : memref<32x80x128xi32, #tpu.memory_space<hbm>> -> memref<1x40x128xi32, #tpu.memory_space<hbm>>
      %dma_wait3A_119 = tpu.memref_squeeze %dma_wait3A_118 : memref<1x40x128xi32, #tpu.memory_space<hbm>> -> memref<40x128xi32, #tpu.memory_space<hbm>>
      %dma_wait3A_120 = arith.constant 40 : i32
      %dma_wait3A_121 = arith.constant 0 : i32
      %dma_wait3A_122 = tpu.memref_slice %arg3[%add3A, %dma_wait3A_120, %dma_wait3A_121] : memref<32x80x128xi32, #tpu.memory_space<hbm>> -> memref<1x40x128xi32, #tpu.memory_space<hbm>>
      %dma_wait3A_123 = tpu.memref_squeeze %dma_wait3A_122 : memref<1x40x128xi32, #tpu.memory_space<hbm>> -> memref<40x128xi32, #tpu.memory_space<hbm>>
      tpu.wait_dma2 semaphore(%run_scoped3A : memref<!tpu.dma_semaphore, #tpu.memory_space<semaphore_mem>>) src(%dma_wait3A_123 : memref<40x128xi32, #tpu.memory_space<hbm>>) dst(%arg7 : memref<40x128xi32, #tpu.memory_space<vmem>>)
      tpu.yield
    }) : () -> ()
    "tpu.region"() ({
      %run_scoped3A = tpu.sem_alloc : memref<!tpu.dma_semaphore, #tpu.memory_space<semaphore_mem>>
      %dma_start3A_108 = arith.constant 40 : i32
      %dma_start3A_109 = arith.constant 0 : i32
      %dma_start3A_110 = tpu.memref_slice %arg4[%add3A, %dma_start3A_108, %dma_start3A_109] : memref<32x80x128xi32, #tpu.memory_space<hbm>> -> memref<1x40x128xi32, #tpu.memory_space<hbm>>
      %dma_start3A_111 = tpu.memref_squeeze %dma_start3A_110 : memref<1x40x128xi32, #tpu.memory_space<hbm>> -> memref<40x128xi32, #tpu.memory_space<hbm>>
      %dma_start3A_112 = arith.constant 40 : i32
      %dma_start3A_113 = arith.constant 0 : i32
      %dma_start3A_114 = tpu.memref_slice %arg4[%add3A, %dma_start3A_112, %dma_start3A_113] : memref<32x80x128xi32, #tpu.memory_space<hbm>> -> memref<1x40x128xi32, #tpu.memory_space<hbm>>
      %dma_start3A_115 = tpu.memref_squeeze %dma_start3A_114 : memref<1x40x128xi32, #tpu.memory_space<hbm>> -> memref<40x128xi32, #tpu.memory_space<hbm>>
      tpu.enqueue_dma source(%dma_start3A_115 : memref<40x128xi32, #tpu.memory_space<hbm>>) target(%arg8 : memref<40x128xi32, #tpu.memory_space<vmem>>) target_semaphore(%run_scoped3A : memref<!tpu.dma_semaphore, #tpu.memory_space<semaphore_mem>>)
      %dma_wait3A_116 = arith.constant 40 : i32
      %dma_wait3A_117 = arith.constant 0 : i32
      %dma_wait3A_118 = tpu.memref_slice %arg4[%add3A, %dma_wait3A_116, %dma_wait3A_117] : memref<32x80x128xi32, #tpu.memory_space<hbm>> -> memref<1x40x128xi32, #tpu.memory_space<hbm>>
      %dma_wait3A_119 = tpu.memref_squeeze %dma_wait3A_118 : memref<1x40x128xi32, #tpu.memory_space<hbm>> -> memref<40x128xi32, #tpu.memory_space<hbm>>
      %dma_wait3A_120 = arith.constant 40 : i32
      %dma_wait3A_121 = arith.constant 0 : i32
      %dma_wait3A_122 = tpu.memref_slice %arg4[%add3A, %dma_wait3A_120, %dma_wait3A_121] : memref<32x80x128xi32, #tpu.memory_space<hbm>> -> memref<1x40x128xi32, #tpu.memory_space<hbm>>
      %dma_wait3A_123 = tpu.memref_squeeze %dma_wait3A_122 : memref<1x40x128xi32, #tpu.memory_space<hbm>> -> memref<40x128xi32, #tpu.memory_space<hbm>>
      tpu.wait_dma2 semaphore(%run_scoped3A : memref<!tpu.dma_semaphore, #tpu.memory_space<semaphore_mem>>) src(%dma_wait3A_123 : memref<40x128xi32, #tpu.memory_space<hbm>>) dst(%arg8 : memref<40x128xi32, #tpu.memory_space<vmem>>)
      tpu.yield
    }) : () -> ()
    %dma_start3A_69 = arith.constant 0 : i32
    %dma_start3A_70 = arith.constant 0 : i32
    %dma_start3A_71 = tpu.memref_slice %arg7[%dma_start3A_69, %dma_start3A_70] : memref<40x128xi32, #tpu.memory_space<vmem>> -> memref<1x128xi32, #tpu.memory_space<vmem>>
    %dma_start3A_72 = tpu.memref_squeeze %dma_start3A_71 : memref<1x128xi32, #tpu.memory_space<vmem>> -> memref<128xi32, #tpu.memory_space<vmem>>
    %dma_start3A_73 = arith.constant 0 : i32
    %dma_start3A_74 = arith.constant 0 : i32
    %dma_start3A_75 = tpu.memref_slice %arg2[%dma_start3A_73, %dma_start3A_74] : memref<10240x128xf32, #tpu.memory_space<hbm>> -> memref<10240x128xf32, #tpu.memory_space<hbm>>
    tpu.enqueue_indirect_dma source(%dma_start3A_75 : memref<10240x128xf32, #tpu.memory_space<hbm>>) target(%arg9 : memref<128x128xf32, #tpu.memory_space<vmem>>) offsets(%dma_start3A_72 : memref<128xi32, #tpu.memory_space<vmem>>) semaphore(%arg12 : memref<!tpu.dma_semaphore, #tpu.memory_space<semaphore_mem>>)
    %dma_start3A_76 = arith.constant 1 : i32
    %dma_start3A_77 = arith.constant 0 : i32
    %dma_start3A_78 = tpu.memref_slice %arg7[%dma_start3A_76, %dma_start3A_77] : memref<40x128xi32, #tpu.memory_space<vmem>> -> memref<1x128xi32, #tpu.memory_space<vmem>>
    %dma_start3A_79 = tpu.memref_squeeze %dma_start3A_78 : memref<1x128xi32, #tpu.memory_space<vmem>> -> memref<128xi32, #tpu.memory_space<vmem>>
    %dma_start3A_80 = arith.constant 0 : i32
    %dma_start3A_81 = arith.constant 0 : i32
    %dma_start3A_82 = tpu.memref_slice %arg2[%dma_start3A_80, %dma_start3A_81] : memref<10240x128xf32, #tpu.memory_space<hbm>> -> memref<10240x128xf32, #tpu.memory_space<hbm>>
    tpu.enqueue_indirect_dma source(%dma_start3A_82 : memref<10240x128xf32, #tpu.memory_space<hbm>>) target(%arg10 : memref<128x128xf32, #tpu.memory_space<vmem>>) offsets(%dma_start3A_79 : memref<128xi32, #tpu.memory_space<vmem>>) semaphore(%arg13 : memref<!tpu.dma_semaphore, #tpu.memory_space<semaphore_mem>>)
    %scan3A_83 = arith.constant 0 : i32
    %scan3A_84 = arith.constant 0 : i32
    %scan3A_85 = arith.constant 20 : i32
    %scan3A_86 = arith.addi %scan3A_84, %scan3A_85 : i32
    %scan3A_87 = arith.constant 1 : i32
    scf.for %scan3A_108 = %scan3A_84 to %scan3A_86 step %scan3A_87  : i32 {
      %mul3A_109 = arith.constant 2 : i32
      %mul3A_110 = arith.muli %mul3A_109, %scan3A_108 : i32
      %add3A_111 = arith.constant 1 : i32
      %add3A_112 = arith.addi %mul3A_110, %add3A_111 : i32
      %dma_wait3A_113 = arith.constant 0 : i32
      %dma_wait3A_114 = arith.constant 0 : i32
      %dma_wait3A_115 = tpu.memref_slice %arg2[%dma_wait3A_113, %dma_wait3A_114] : memref<10240x128xf32, #tpu.memory_space<hbm>> -> memref<128x128xf32, #tpu.memory_space<hbm>>
      %dma_wait3A_116 = arith.constant 0 : i32
      %dma_wait3A_117 = arith.constant 0 : i32
      %dma_wait3A_118 = tpu.memref_slice %arg2[%dma_wait3A_116, %dma_wait3A_117] : memref<10240x128xf32, #tpu.memory_space<hbm>> -> memref<128x128xf32, #tpu.memory_space<hbm>>
      tpu.wait_dma2 semaphore(%arg12 : memref<!tpu.dma_semaphore, #tpu.memory_space<semaphore_mem>>) src(%dma_wait3A_118 : memref<128x128xf32, #tpu.memory_space<hbm>>) dst(%arg9 : memref<128x128xf32, #tpu.memory_space<vmem>>)
      "tpu.region"() ({
        %run_scoped3A = tpu.sem_alloc : memref<!tpu.dma_semaphore, #tpu.memory_space<semaphore_mem>>
        %dma_start3A_144 = arith.constant 0 : i32
        %dma_start3A_145 = tpu.memref_slice %arg8[%mul3A_110, %dma_start3A_144] : memref<40x128xi32, #tpu.memory_space<vmem>> -> memref<1x128xi32, #tpu.memory_space<vmem>>
        %dma_start3A_146 = tpu.memref_squeeze %dma_start3A_145 : memref<1x128xi32, #tpu.memory_space<vmem>> -> memref<128xi32, #tpu.memory_space<vmem>>
        %dma_start3A_147 = arith.constant 0 : i32
        %dma_start3A_148 = arith.constant 0 : i32
        %dma_start3A_149 = tpu.memref_slice %arg11[%dma_start3A_147, %dma_start3A_148] : memref<10240x128xf32, #tpu.memory_space<vmem_shared>> -> memref<10240x128xf32, #tpu.memory_space<vmem_shared>>
        tpu.enqueue_indirect_dma source(%arg9 : memref<128x128xf32, #tpu.memory_space<vmem>>) target(%dma_start3A_149 : memref<10240x128xf32, #tpu.memory_space<vmem_shared>>) offsets(%dma_start3A_146 : memref<128xi32, #tpu.memory_space<vmem>>) semaphore(%run_scoped3A : memref<!tpu.dma_semaphore, #tpu.memory_space<semaphore_mem>>) {add = true}
        %dma_wait3A_150 = arith.constant 0 : i32
        %dma_wait3A_151 = tpu.memref_slice %arg8[%mul3A_110, %dma_wait3A_150] : memref<40x128xi32, #tpu.memory_space<vmem>> -> memref<1x128xi32, #tpu.memory_space<vmem>>
        %dma_wait3A_152 = tpu.memref_squeeze %dma_wait3A_151 : memref<1x128xi32, #tpu.memory_space<vmem>> -> memref<128xi32, #tpu.memory_space<vmem>>
        %dma_wait3A_153 = arith.constant 0 : i32
        %dma_wait3A_154 = arith.constant 0 : i32
        %dma_wait3A_155 = tpu.memref_slice %arg11[%dma_wait3A_153, %dma_wait3A_154] : memref<10240x128xf32, #tpu.memory_space<vmem_shared>> -> memref<10240x128xf32, #tpu.memory_space<vmem_shared>>
        tpu.wait_indirect_dma semaphore(%run_scoped3A : memref<!tpu.dma_semaphore, #tpu.memory_space<semaphore_mem>>) src(%arg9 : memref<128x128xf32, #tpu.memory_space<vmem>>) dst(%dma_wait3A_155 : memref<10240x128xf32, #tpu.memory_space<vmem_shared>>)
        tpu.yield
      }) : () -> ()
      %add3A_119 = arith.constant 2 : i32
      %add3A_120 = arith.addi %mul3A_110, %add3A_119 : i32
      %rem3A = arith.constant 40 : i32
      %rem3A_121 = arith.remsi %add3A_120, %rem3A : i32
      %dma_start3A_122 = arith.constant 0 : i32
      %dma_start3A_123 = tpu.memref_slice %arg7[%rem3A_121, %dma_start3A_122] : memref<40x128xi32, #tpu.memory_space<vmem>> -> memref<1x128xi32, #tpu.memory_space<vmem>>
      %dma_start3A_124 = tpu.memref_squeeze %dma_start3A_123 : memref<1x128xi32, #tpu.memory_space<vmem>> -> memref<128xi32, #tpu.memory_space<vmem>>
      %dma_start3A_125 = arith.constant 0 : i32
      %dma_start3A_126 = arith.constant 0 : i32
      %dma_start3A_127 = tpu.memref_slice %arg2[%dma_start3A_125, %dma_start3A_126] : memref<10240x128xf32, #tpu.memory_space<hbm>> -> memref<10240x128xf32, #tpu.memory_space<hbm>>
      tpu.enqueue_indirect_dma source(%dma_start3A_127 : memref<10240x128xf32, #tpu.memory_space<hbm>>) target(%arg9 : memref<128x128xf32, #tpu.memory_space<vmem>>) offsets(%dma_start3A_124 : memref<128xi32, #tpu.memory_space<vmem>>) semaphore(%arg12 : memref<!tpu.dma_semaphore, #tpu.memory_space<semaphore_mem>>)
      %dma_wait3A_128 = arith.constant 0 : i32
      %dma_wait3A_129 = arith.constant 0 : i32
      %dma_wait3A_130 = tpu.memref_slice %arg2[%dma_wait3A_128, %dma_wait3A_129] : memref<10240x128xf32, #tpu.memory_space<hbm>> -> memref<128x128xf32, #tpu.memory_space<hbm>>
      %dma_wait3A_131 = arith.constant 0 : i32
      %dma_wait3A_132 = arith.constant 0 : i32
      %dma_wait3A_133 = tpu.memref_slice %arg2[%dma_wait3A_131, %dma_wait3A_132] : memref<10240x128xf32, #tpu.memory_space<hbm>> -> memref<128x128xf32, #tpu.memory_space<hbm>>
      tpu.wait_dma2 semaphore(%arg13 : memref<!tpu.dma_semaphore, #tpu.memory_space<semaphore_mem>>) src(%dma_wait3A_133 : memref<128x128xf32, #tpu.memory_space<hbm>>) dst(%arg10 : memref<128x128xf32, #tpu.memory_space<vmem>>)
      "tpu.region"() ({
        %run_scoped3A = tpu.sem_alloc : memref<!tpu.dma_semaphore, #tpu.memory_space<semaphore_mem>>
        %dma_start3A_144 = arith.constant 0 : i32
        %dma_start3A_145 = tpu.memref_slice %arg8[%add3A_112, %dma_start3A_144] : memref<40x128xi32, #tpu.memory_space<vmem>> -> memref<1x128xi32, #tpu.memory_space<vmem>>
        %dma_start3A_146 = tpu.memref_squeeze %dma_start3A_145 : memref<1x128xi32, #tpu.memory_space<vmem>> -> memref<128xi32, #tpu.memory_space<vmem>>
        %dma_start3A_147 = arith.constant 0 : i32
        %dma_start3A_148 = arith.constant 0 : i32
        %dma_start3A_149 = tpu.memref_slice %arg11[%dma_start3A_147, %dma_start3A_148] : memref<10240x128xf32, #tpu.memory_space<vmem_shared>> -> memref<10240x128xf32, #tpu.memory_space<vmem_shared>>
        tpu.enqueue_indirect_dma source(%arg10 : memref<128x128xf32, #tpu.memory_space<vmem>>) target(%dma_start3A_149 : memref<10240x128xf32, #tpu.memory_space<vmem_shared>>) offsets(%dma_start3A_146 : memref<128xi32, #tpu.memory_space<vmem>>) semaphore(%run_scoped3A : memref<!tpu.dma_semaphore, #tpu.memory_space<semaphore_mem>>) {add = true}
        %dma_wait3A_150 = arith.constant 0 : i32
        %dma_wait3A_151 = tpu.memref_slice %arg8[%add3A_112, %dma_wait3A_150] : memref<40x128xi32, #tpu.memory_space<vmem>> -> memref<1x128xi32, #tpu.memory_space<vmem>>
        %dma_wait3A_152 = tpu.memref_squeeze %dma_wait3A_151 : memref<1x128xi32, #tpu.memory_space<vmem>> -> memref<128xi32, #tpu.memory_space<vmem>>
        %dma_wait3A_153 = arith.constant 0 : i32
        %dma_wait3A_154 = arith.constant 0 : i32
        %dma_wait3A_155 = tpu.memref_slice %arg11[%dma_wait3A_153, %dma_wait3A_154] : memref<10240x128xf32, #tpu.memory_space<vmem_shared>> -> memref<10240x128xf32, #tpu.memory_space<vmem_shared>>
        tpu.wait_indirect_dma semaphore(%run_scoped3A : memref<!tpu.dma_semaphore, #tpu.memory_space<semaphore_mem>>) src(%arg10 : memref<128x128xf32, #tpu.memory_space<vmem>>) dst(%dma_wait3A_155 : memref<10240x128xf32, #tpu.memory_space<vmem_shared>>)
        tpu.yield
      }) : () -> ()
      %add3A_134 = arith.constant 2 : i32
      %add3A_135 = arith.addi %add3A_112, %add3A_134 : i32
      %rem3A_136 = arith.constant 40 : i32
      %rem3A_137 = arith.remsi %add3A_135, %rem3A_136 : i32
      %dma_start3A_138 = arith.constant 0 : i32
      %dma_start3A_139 = tpu.memref_slice %arg7[%rem3A_137, %dma_start3A_138] : memref<40x128xi32, #tpu.memory_space<vmem>> -> memref<1x128xi32, #tpu.memory_space<vmem>>
      %dma_start3A_140 = tpu.memref_squeeze %dma_start3A_139 : memref<1x128xi32, #tpu.memory_space<vmem>> -> memref<128xi32, #tpu.memory_space<vmem>>
      %dma_start3A_141 = arith.constant 0 : i32
      %dma_start3A_142 = arith.constant 0 : i32
      %dma_start3A_143 = tpu.memref_slice %arg2[%dma_start3A_141, %dma_start3A_142] : memref<10240x128xf32, #tpu.memory_space<hbm>> -> memref<10240x128xf32, #tpu.memory_space<hbm>>
      tpu.enqueue_indirect_dma source(%dma_start3A_143 : memref<10240x128xf32, #tpu.memory_space<hbm>>) target(%arg10 : memref<128x128xf32, #tpu.memory_space<vmem>>) offsets(%dma_start3A_140 : memref<128xi32, #tpu.memory_space<vmem>>) semaphore(%arg13 : memref<!tpu.dma_semaphore, #tpu.memory_space<semaphore_mem>>)
    }
    %scan3A_88 = arith.constant 20 : i32
    %dma_wait3A_89 = arith.constant 0 : i32
    %dma_wait3A_90 = arith.constant 0 : i32
    %dma_wait3A_91 = tpu.memref_slice %arg2[%dma_wait3A_89, %dma_wait3A_90] : memref<10240x128xf32, #tpu.memory_space<hbm>> -> memref<128x128xf32, #tpu.memory_space<hbm>>
    %dma_wait3A_92 = arith.constant 0 : i32
    %dma_wait3A_93 = arith.constant 0 : i32
    %dma_wait3A_94 = tpu.memref_slice %arg2[%dma_wait3A_92, %dma_wait3A_93] : memref<10240x128xf32, #tpu.memory_space<hbm>> -> memref<128x128xf32, #tpu.memory_space<hbm>>
    tpu.wait_dma2 semaphore(%arg12 : memref<!tpu.dma_semaphore, #tpu.memory_space<semaphore_mem>>) src(%dma_wait3A_94 : memref<128x128xf32, #tpu.memory_space<hbm>>) dst(%arg9 : memref<128x128xf32, #tpu.memory_space<vmem>>)
    %dma_wait3A_95 = arith.constant 0 : i32
    %dma_wait3A_96 = arith.constant 0 : i32
    %dma_wait3A_97 = tpu.memref_slice %arg2[%dma_wait3A_95, %dma_wait3A_96] : memref<10240x128xf32, #tpu.memory_space<hbm>> -> memref<128x128xf32, #tpu.memory_space<hbm>>
    %dma_wait3A_98 = arith.constant 0 : i32
    %dma_wait3A_99 = arith.constant 0 : i32
    %dma_wait3A_100 = tpu.memref_slice %arg2[%dma_wait3A_98, %dma_wait3A_99] : memref<10240x128xf32, #tpu.memory_space<hbm>> -> memref<128x128xf32, #tpu.memory_space<hbm>>
    tpu.wait_dma2 semaphore(%arg13 : memref<!tpu.dma_semaphore, #tpu.memory_space<semaphore_mem>>) src(%dma_wait3A_100 : memref<128x128xf32, #tpu.memory_space<hbm>>) dst(%arg10 : memref<128x128xf32, #tpu.memory_space<vmem>>)
    %scan3A_101 = arith.constant 0 : i32
    %scan3A_102 = arith.constant 0 : i32
    %scan3A_103 = arith.constant 40 : i32
    %scan3A_104 = arith.addi %scan3A_102, %scan3A_103 : i32
    %scan3A_105 = arith.constant 1 : i32
    scf.for %scan3A_108 = %scan3A_102 to %scan3A_104 step %scan3A_105  : i32 {
      "tpu.region"() ({
        %run_scoped3A = tpu.sem_alloc : memref<!tpu.dma_semaphore, #tpu.memory_space<semaphore_mem>>
        %dma_start3A_109 = arith.constant 0 : i32
        %dma_start3A_110 = tpu.memref_slice %arg8[%scan3A_108, %dma_start3A_109] : memref<40x128xi32, #tpu.memory_space<vmem>> -> memref<1x128xi32, #tpu.memory_space<vmem>>
        %dma_start3A_111 = tpu.memref_squeeze %dma_start3A_110 : memref<1x128xi32, #tpu.memory_space<vmem>> -> memref<128xi32, #tpu.memory_space<vmem>>
        %dma_start3A_112 = arith.constant 0 : i32
        %dma_start3A_113 = tpu.memref_slice %arg16[%dma_start3A_112] : memref<10240xf32, #tpu.memory_space<vmem_shared>> -> memref<10240xf32, #tpu.memory_space<vmem_shared>>
        tpu.enqueue_indirect_dma source(%arg14 : memref<128xf32, #tpu.memory_space<vmem>>) target(%dma_start3A_113 : memref<10240xf32, #tpu.memory_space<vmem_shared>>) offsets(%dma_start3A_111 : memref<128xi32, #tpu.memory_space<vmem>>) semaphore(%run_scoped3A : memref<!tpu.dma_semaphore, #tpu.memory_space<semaphore_mem>>) {add = true}
        %dma_wait3A_114 = arith.constant 0 : i32
        %dma_wait3A_115 = tpu.memref_slice %arg8[%scan3A_108, %dma_wait3A_114] : memref<40x128xi32, #tpu.memory_space<vmem>> -> memref<1x128xi32, #tpu.memory_space<vmem>>
        %dma_wait3A_116 = tpu.memref_squeeze %dma_wait3A_115 : memref<1x128xi32, #tpu.memory_space<vmem>> -> memref<128xi32, #tpu.memory_space<vmem>>
        %dma_wait3A_117 = arith.constant 0 : i32
        %dma_wait3A_118 = tpu.memref_slice %arg16[%dma_wait3A_117] : memref<10240xf32, #tpu.memory_space<vmem_shared>> -> memref<10240xf32, #tpu.memory_space<vmem_shared>>
        tpu.wait_indirect_dma semaphore(%run_scoped3A : memref<!tpu.dma_semaphore, #tpu.memory_space<semaphore_mem>>) src(%arg14 : memref<128xf32, #tpu.memory_space<vmem>>) dst(%dma_wait3A_118 : memref<10240xf32, #tpu.memory_space<vmem_shared>>)
        tpu.yield
      }) : () -> ()
    }
    %scan3A_106 = arith.constant 40 : i32
    %barrier3A_107 = arith.constant 0 : index
    tpu.barrier barrier_id(%barrier3A_107)
    "tpu.region"() ({
      %run_scoped3A = tpu.sem_alloc : memref<!tpu.dma_semaphore, #tpu.memory_space<semaphore_mem>>
      %dma_start3A_108 = arith.constant 0 : i32
      %dma_start3A_109 = tpu.memref_slice %arg5[%arg0, %mul3A_3, %dma_start3A_108] : memref<2x10240x128xf32, #tpu.memory_space<hbm>> -> memref<1x640x128xf32, #tpu.memory_space<hbm>>
      %dma_start3A_110 = tpu.memref_squeeze %dma_start3A_109 : memref<1x640x128xf32, #tpu.memory_space<hbm>> -> memref<640x128xf32, #tpu.memory_space<hbm>>
      %dma_start3A_111 = arith.constant 0 : i32
      %dma_start3A_112 = tpu.memref_slice %arg11[%mul3A_3, %dma_start3A_111] : memref<10240x128xf32, #tpu.memory_space<vmem_shared>> -> memref<640x128xf32, #tpu.memory_space<vmem_shared>>
      tpu.enqueue_dma source(%dma_start3A_112 : memref<640x128xf32, #tpu.memory_space<vmem_shared>>) target(%dma_start3A_110 : memref<640x128xf32, #tpu.memory_space<hbm>>) target_semaphore(%run_scoped3A : memref<!tpu.dma_semaphore, #tpu.memory_space<semaphore_mem>>)
      %dma_wait3A_113 = arith.constant 0 : i32
      %dma_wait3A_114 = tpu.memref_slice %arg5[%arg0, %mul3A_3, %dma_wait3A_113] : memref<2x10240x128xf32, #tpu.memory_space<hbm>> -> memref<1x640x128xf32, #tpu.memory_space<hbm>>
      %dma_wait3A_115 = tpu.memref_squeeze %dma_wait3A_114 : memref<1x640x128xf32, #tpu.memory_space<hbm>> -> memref<640x128xf32, #tpu.memory_space<hbm>>
      %dma_wait3A_116 = arith.constant 0 : i32
      %dma_wait3A_117 = tpu.memref_slice %arg11[%mul3A_3, %dma_wait3A_116] : memref<10240x128xf32, #tpu.memory_space<vmem_shared>> -> memref<640x128xf32, #tpu.memory_space<vmem_shared>>
      tpu.wait_dma2 semaphore(%run_scoped3A : memref<!tpu.dma_semaphore, #tpu.memory_space<semaphore_mem>>) src(%dma_wait3A_117 : memref<640x128xf32, #tpu.memory_space<vmem_shared>>) dst(%dma_wait3A_115 : memref<640x128xf32, #tpu.memory_space<hbm>>)
      tpu.yield
    }) : () -> ()
    "tpu.region"() ({
      %run_scoped3A = tpu.sem_alloc : memref<!tpu.dma_semaphore, #tpu.memory_space<semaphore_mem>>
      %dma_start3A_108 = tpu.memref_slice %arg6[%arg0, %mul3A_3] : memref<2x10240xf32, #tpu.memory_space<hbm>> -> memref<1x640xf32, #tpu.memory_space<hbm>>
      %dma_start3A_109 = tpu.memref_squeeze %dma_start3A_108 : memref<1x640xf32, #tpu.memory_space<hbm>> -> memref<640xf32, #tpu.memory_space<hbm>>
      %dma_start3A_110 = tpu.memref_slice %arg16[%mul3A_3] : memref<10240xf32, #tpu.memory_space<vmem_shared>> -> memref<640xf32, #tpu.memory_space<vmem_shared>>
      tpu.enqueue_dma source(%dma_start3A_110 : memref<640xf32, #tpu.memory_space<vmem_shared>>) target(%dma_start3A_109 : memref<640xf32, #tpu.memory_space<hbm>>) target_semaphore(%run_scoped3A : memref<!tpu.dma_semaphore, #tpu.memory_space<semaphore_mem>>)
      %dma_wait3A_111 = tpu.memref_slice %arg6[%arg0, %mul3A_3] : memref<2x10240xf32, #tpu.memory_space<hbm>> -> memref<1x640xf32, #tpu.memory_space<hbm>>
      %dma_wait3A_112 = tpu.memref_squeeze %dma_wait3A_111 : memref<1x640xf32, #tpu.memory_space<hbm>> -> memref<640xf32, #tpu.memory_space<hbm>>
      %dma_wait3A_113 = tpu.memref_slice %arg16[%mul3A_3] : memref<10240xf32, #tpu.memory_space<vmem_shared>> -> memref<640xf32, #tpu.memory_space<vmem_shared>>
      tpu.wait_dma2 semaphore(%run_scoped3A : memref<!tpu.dma_semaphore, #tpu.memory_space<semaphore_mem>>) src(%dma_wait3A_113 : memref<640xf32, #tpu.memory_space<vmem_shared>>) dst(%dma_wait3A_112 : memref<640xf32, #tpu.memory_space<hbm>>)
      tpu.yield
    }) : () -> ()
    return
  }
}

module attributes {stable_mosaic.version = 14 : i64} {
  func.func @_tc_body(%arg0: i32, %arg1: memref<2x1024x128xf32, #tpu.memory_space<vmem>>, %arg2: memref<2x1024xf32, #tpu.memory_space<vmem>>, %arg3: memref<1024x128xf32, #tpu.memory_space<vmem>>, %arg4: memref<128x128xf32, #tpu.memory_space<vmem>>, %arg5: memref<1x128xf32, #tpu.memory_space<vmem>>, %arg6: memref<128x128xf32, #tpu.memory_space<vmem>>, %arg7: memref<1024x128xf32, #tpu.memory_space<vmem>>) attributes {dimension_semantics = [#tpu.dimension_semantics<arbitrary>], iteration_bounds = array<i64: 10>, scalar_prefetch = 0 : i64, scratch_operands = 0 : i64, tpu.core_type = #tpu.core_type<tc>, window_params = [{transform_indices = @transform_0, window_bounds = array<i64: 2, 1024, 128>}, {transform_indices = @transform_1, window_bounds = array<i64: 2, 1024>}, {transform_indices = @transform_2, window_bounds = array<i64: 1024, 128>}, {pipeline_mode = #tpu.pipeline_mode<synchronous>, transform_indices = @transform_3, window_bounds = array<i64: 128, 128>}, {pipeline_mode = #tpu.pipeline_mode<synchronous>, transform_indices = @transform_4, window_bounds = array<i64: 1, 128>}, {pipeline_mode = #tpu.pipeline_mode<synchronous>, transform_indices = @transform_5, window_bounds = array<i64: 128, 128>}, {transform_indices = @transform_6, window_bounds = array<i64: 1024, 128>}]} {
    %get3A = arith.constant 0 : index
    %get3A_0 = arith.constant 0 : index
    %get3A_1 = arith.constant 0 : index
    %get3A_2 = vector.load %arg1[%get3A, %get3A_0, %get3A_1] : memref<2x1024x128xf32, #tpu.memory_space<vmem>>, vector<1x1024x128xf32>
    %get3A_3 = vector.shape_cast %get3A_2 : vector<1x1024x128xf32> to vector<1024x128xf32>
    %get3A_4 = arith.constant 1 : index
    %get3A_5 = arith.constant 0 : index
    %get3A_6 = arith.constant 0 : index
    %get3A_7 = vector.load %arg1[%get3A_4, %get3A_5, %get3A_6] : memref<2x1024x128xf32, #tpu.memory_space<vmem>>, vector<1x1024x128xf32>
    %get3A_8 = vector.shape_cast %get3A_7 : vector<1x1024x128xf32> to vector<1024x128xf32>
    %add3A = arith.addf %get3A_3, %get3A_8 : vector<1024x128xf32>
    %get3A_9 = arith.constant 0 : index
    %get3A_10 = arith.constant 0 : index
    %get3A_11 = vector.load %arg2[%get3A_9, %get3A_10] : memref<2x1024xf32, #tpu.memory_space<vmem>>, vector<2x1024xf32>
    %reduce_sum3A = arith.constant dense<0.000000e+00> : vector<1024xf32>
    %reduce_sum3A_12 = vector.multi_reduction <add>, %get3A_11, %reduce_sum3A [0] : vector<2x1024xf32> to vector<1024xf32>
    %max3A = arith.constant 1.000000e+00 : f32
    %max3A_13 = vector.broadcast %max3A : f32 to vector<1024xf32>
    %max3A_14 = arith.maximumf %reduce_sum3A_12, %max3A_13 : vector<1024xf32>
    %broadcast_in_dim3A = vector.shape_cast %max3A_14 : vector<1024xf32> to vector<1024x1xf32>
    %div3A = vector.broadcast %broadcast_in_dim3A : vector<1024x1xf32> to vector<1024x128xf32>
    %div3A_15 = arith.divf %add3A, %div3A : vector<1024x128xf32>
    %get3A_16 = arith.constant 0 : index
    %get3A_17 = arith.constant 0 : index
    %get3A_18 = vector.load %arg4[%get3A_16, %get3A_17] : memref<128x128xf32, #tpu.memory_space<vmem>>, vector<128x128xf32>
    %dot_general3A = arith.constant dense<0.000000e+00> : vector<1024x128xf32>
    %dot_general3A_19 = tpu.matmul %div3A_15, %get3A_18, %dot_general3A {dimension_numbers = #tpu.dot_dimension_numbers<[1], [0], [0], [1], [0, 0, 1, 1], [], []>, transpose_lhs_hint = false} : vector<1024x128xf32>, vector<128x128xf32>, vector<1024x128xf32> -> vector<1024x128xf32>
    %get3A_20 = arith.constant 0 : index
    %get3A_21 = arith.constant 0 : index
    %get3A_22 = vector.load %arg5[%get3A_20, %get3A_21] : memref<1x128xf32, #tpu.memory_space<vmem>>, vector<1x128xf32>
    %add3A_23 = vector.broadcast %get3A_22 : vector<1x128xf32> to vector<1024x128xf32>
    %add3A_24 = arith.addf %dot_general3A_19, %add3A_23 : vector<1024x128xf32>
    %get3A_25 = arith.constant 0 : index
    %get3A_26 = arith.constant 0 : index
    %get3A_27 = vector.load %arg3[%get3A_25, %get3A_26] : memref<1024x128xf32, #tpu.memory_space<vmem>>, vector<1024x128xf32>
    %get3A_28 = arith.constant 0 : index
    %get3A_29 = arith.constant 0 : index
    %get3A_30 = vector.load %arg6[%get3A_28, %get3A_29] : memref<128x128xf32, #tpu.memory_space<vmem>>, vector<128x128xf32>
    %dot_general3A_31 = arith.constant dense<0.000000e+00> : vector<1024x128xf32>
    %dot_general3A_32 = tpu.matmul %get3A_27, %get3A_30, %dot_general3A_31 {dimension_numbers = #tpu.dot_dimension_numbers<[1], [0], [0], [1], [0, 0, 1, 1], [], []>, transpose_lhs_hint = false} : vector<1024x128xf32>, vector<128x128xf32>, vector<1024x128xf32> -> vector<1024x128xf32>
    %add3A_33 = arith.addf %add3A_24, %dot_general3A_32 : vector<1024x128xf32>
    %mul3A = arith.mulf %add3A_33, %add3A_33 : vector<1024x128xf32>
    %reduce_sum3A_34 = arith.constant dense<0.000000e+00> : vector<1024xf32>
    %reduce_sum3A_35 = vector.multi_reduction <add>, %mul3A, %reduce_sum3A_34 [1] : vector<1024x128xf32> to vector<1024xf32>
    %broadcast_in_dim3A_36 = vector.shape_cast %reduce_sum3A_35 : vector<1024xf32> to vector<1024x1xf32>
    %sqrt3A = math.sqrt %broadcast_in_dim3A_36 : vector<1024x1xf32>
    %max3A_37 = arith.constant 9.99999996E-13 : f32
    %max3A_38 = vector.broadcast %max3A_37 : f32 to vector<1024x1xf32>
    %max3A_39 = arith.maximumf %sqrt3A, %max3A_38 : vector<1024x1xf32>
    %div3A_40 = vector.broadcast %max3A_39 : vector<1024x1xf32> to vector<1024x128xf32>
    %div3A_41 = arith.divf %add3A_33, %div3A_40 : vector<1024x128xf32>
    %max3A_42 = arith.constant 0.000000e+00 : f32
    %max3A_43 = vector.broadcast %max3A_42 : f32 to vector<1024x128xf32>
    %max3A_44 = arith.maximumf %div3A_41, %max3A_43 : vector<1024x128xf32>
    %swap3A = arith.constant 0 : index
    %swap3A_45 = arith.constant 0 : index
    %swap3A_46 = vector.load %arg7[%swap3A, %swap3A_45] : memref<1024x128xf32, #tpu.memory_space<vmem>>, vector<1024x128xf32>
    tpu.vector_store %arg7[%swap3A, %swap3A_45], %max3A_44 {strides = array<i32>} : memref<1024x128xf32, #tpu.memory_space<vmem>>, vector<1024x128xf32>,
    return
  }
  func.func @transform_0(%arg0: i32) -> (i32, i32, i32) {
    %c0_i32 = arith.constant 0 : i32
    %c0_i32_0 = arith.constant 0 : i32
    %c0_i32_1 = arith.constant 0 : i32
    return %c0_i32, %arg0, %c0_i32_0 : i32, i32, i32
  }
  func.func @transform_1(%arg0: i32) -> (i32, i32) {
    %c0_i32 = arith.constant 0 : i32
    %c0_i32_0 = arith.constant 0 : i32
    return %c0_i32, %arg0 : i32, i32
  }
  func.func @transform_2(%arg0: i32) -> (i32, i32) {
    %c0_i32 = arith.constant 0 : i32
    %c0_i32_0 = arith.constant 0 : i32
    return %arg0, %c0_i32 : i32, i32
  }
  func.func @transform_3(%arg0: i32) -> (i32, i32) {
    %c0_i32 = arith.constant 0 : i32
    %c0_i32_0 = arith.constant 0 : i32
    %c0_i32_1 = arith.constant 0 : i32
    return %c0_i32, %c0_i32_0 : i32, i32
  }
  func.func @transform_4(%arg0: i32) -> (i32, i32) {
    %c0_i32 = arith.constant 0 : i32
    %c0_i32_0 = arith.constant 0 : i32
    %c0_i32_1 = arith.constant 0 : i32
    return %c0_i32, %c0_i32_0 : i32, i32
  }
  func.func @transform_5(%arg0: i32) -> (i32, i32) {
    %c0_i32 = arith.constant 0 : i32
    %c0_i32_0 = arith.constant 0 : i32
    %c0_i32_1 = arith.constant 0 : i32
    return %c0_i32, %c0_i32_0 : i32, i32
  }
  func.func @transform_6(%arg0: i32) -> (i32, i32) {
    %c0_i32 = arith.constant 0 : i32
    %c0_i32_0 = arith.constant 0 : i32
    return %arg0, %c0_i32 : i32, i32
  }
}

</mosaic_0001>

<sc_bundles>
// kernel: kernel.6.cloned.1.call-start
scs
__scs_entry_jumppad:
0x0: {  	(pc) =	sbr.rel $0x88, $3  }
0x1: {  	(tag) =	ssettag $0x0;
	lr =	simm.s32 $0x1  }
0x2: {  	[smem:$0x3F99] =	sst lr;
	_ =	strace $0xD0000000  }
0x3: {  	_ = 	snop  }
0x4: {  	_ = 	snop  }
0x5: {  	_ = 	snop  }
0x6: {  	_ = 	snop  }
0x7: {  	_ = 	snop  }
__scs_overlays_trampoline_lowered:
0x8: {  	[smem:$0x3FA8] =	sst s0  }
0x9: {  	[smem:$0x3FA9] =	sst s1  }
0xa: {  	[smem:$0x3FAA] =	sst s2  }
0xb: {  	[smem:$0x3FAB] =	sst s3  }
0xc: {  	[smem:$0x3FAC] =	sst s4  }
0xd: {  	[smem:$0x3FAD] =	sst s5  }
0xe: {  	[smem:$0x3FAE] =	sst s6  }
0xf: {  	[smem:$0x3FAF] =	sst s7  }
0x10: {  	[smem:$0x3FB0] =	sst s8  }
0x11: {  	[smem:$0x3FB1] =	sst s9;
	s0 =	simm.s32 @!p0 $0x0  }
0x12: {  	s1 =	sld [smem:$0x3F97];
	s0 =	simm.s32 @p0 $0x1  }
0x13: {  	[smem:$0x3FB2] =	sst s0;
	s0 =	simm.s32 @!p1 $0x0  }
0x14: {  	s2 =	sld [smem:$0x3F96];
	s0 =	simm.s32 @p1 $0x1  }
0x15: {  	[smem:$0x3FB3] =	sst s0;
	s0 =	simm.s32 @!p2 $0x0  }
0x16: {  	s3 =	sld [smem:$0x3FDB];
	s0 =	simm.s32 @p2 $0x1  }
0x17: {  	s4 =	simm.s32 $0x1BF5;
	[smem:$0x3FB5] =	sst s0  }
0x18: {  	s0 =	sld [smem:$0x3F98];
	_ =	swait.ge [sflag:s4], $0x0  }
0x19: {  	s7 =	sld [smem:$0x3F99]  }
0x1a: {  	s8 =	sadd.s32 $0xFFFFE003, lr  }
0x1b: {  	s9 =	sadd.s32 $0xFFFFFEF7, lr;
	s5 =	simm.s32 $0xFFFFFFFF;
	p2 =	slt.u32 s8, $0xFFFFF086  }
0x1c: {  	p1 =	slt.u32 s9, $0xF7A;
	s5 =	simm.s32 @!p2 $0x0  }
0x1d: {  	s5 =	simm.s32 @p1 $0x1;
	p0 =	seq.s32 s7, s2  }
0x1e: {  	s7 =	smul.u32 @!p0 $0xF7A, s2;
	p2 =	seq.s32 @!p0 s5, $0x0  }
0x1f: {  	s9 =	smul.u32 $0xF7A, s1;
	s8 =	simm.s32 @!p0 $0x1BF5;
	p2 =	por !p2, p0  }
0x20: {  	[sflag:s8] =	ssyncset.s32 @!p0 $0xFFFFF086;
	s6 =	sadd.s32 @!p0 s3, s7;
	s7 =	simm.s32 @!p0 $0x108  }
0x21: {  	s3 =	sadd.s32 s3, s9;
	s6 =	sadd.s32 @!p0 $0x88, s6;
	s7 =	simm.s32 @p2 $0x1082  }
0x22: {  	[simem:s7], [sflag:s8] =	dma.local @!p0 [hbm:s6], $0xF7A  }
0x23: {  	s9 =	sor.u32 $0xD0000000, s2;
	s6 =	simm.s32 $0x108;
	_ =	swait.ge @!p0 [sflag:s8], $0x0  }
0x24: {  	s3 =	sadd.s32 $0x88, s3;
	s6 =	simm.s32 @!p1 $0x1082;
	[sflag:s4] =	ssyncset.s32 $0xFFFFF086  }
0x25: {  	[simem:s6], [sflag:s4] =	dma.local [hbm:s3], $0xF7A  }
0x26: {  	[smem:$0x3F99] =	sst s1;
	(tag) =	ssettag s2;
	_ =	strace s9  }
0x27: {  	s1 =	sld [smem:$0x3FA9]  }
0x28: {  	s2 =	sld [smem:$0x3FAA]  }
0x29: {  	s4 =	sld [smem:$0x3FAC]  }
0x2a: {  	p0 =	seq.s32 s5, $0x0;
	s5 =	sld [smem:$0x3FAD]  }
0x2b: {  	s6 =	sld [smem:$0x3FAE]  }
0x2c: {  	s7 =	sld [smem:$0x3FAF]  }
0x2d: {  	s3 =	simm.s32 $0x108;
	s8 =	sld [smem:$0x3FB0]  }
0x2e: {  	s3 =	simm.s32 @!p0 $0x1082;
	s9 =	sld [smem:$0x3FB1]  }
0x2f: {  	lr =	sadd.s32 s0, s3;
	s0 =	sld [smem:$0x3FA8]  }
0x30: {  	s3 =	sld [smem:$0x3FAB]  }
0x31: {  	[smem:$0x3FB4] =	sst s10  }
0x32: {  	s10 =	sld [smem:$0x3FB2];
	_ =	sdelay $0x3  }
0x33: {  	p0 =	seq.s32 s10, $0x1;
	s10 =	sld [smem:$0x3FB4];
	_ =	sdelay $0x3  }
0x34: {  	[smem:$0x3FB4] =	sst s10  }
0x35: {  	s10 =	sld [smem:$0x3FB3];
	_ =	sdelay $0x3  }
0x36: {  	p1 =	seq.s32 s10, $0x1;
	s10 =	sld [smem:$0x3FB4];
	_ =	sdelay $0x3  }
0x37: {  	[smem:$0x3FB4] =	sst s10  }
0x38: {  	s10 =	sld [smem:$0x3FB5]  }
0x39: {  	_ = 	snop;
	(pc) =	sbr.ind lr, $3  }
0x3a: {  	_ = 	snop  }
0x3b: {  	_ = 	snop  }
0x3c: {  	p2 =	seq.s32 s10, $0x1;
	s10 =	sld [smem:$0x3FB4]  }
0x3d: {  	_ =	shalt  }
0x3e: {  	_ =	shalt  }
0x3f: {  	_ =	shalt  }
0x40: {  	_ =	shalt  }
0x41: {  	_ =	shalt  }
0x42: {  	_ =	shalt  }
0x43: {  	_ =	shalt  }
0x44: {  	_ =	shalt  }
0x45: {  	_ =	shalt  }
0x46: {  	_ =	shalt  }
0x47: {  	_ =	shalt  }
0x48: {  	_ =	shalt  }
0x49: {  	_ =	shalt  }
0x4a: {  	_ =	shalt  }
0x4b: {  	_ =	shalt  }
0x4c: {  	_ =	shalt  }
0x4d: {  	_ =	shalt  }
0x4e: {  	_ =	shalt  }
0x4f: {  	_ =	shalt  }
0x50: {  	_ =	shalt  }
0x51: {  	_ =	shalt  }
0x52: {  	_ =	shalt  }
0x53: {  	_ =	shalt  }
0x54: {  	_ =	shalt  }
0x55: {  	_ =	shalt  }
0x56: {  	_ =	shalt  }
0x57: {  	_ =	shalt  }
0x58: {  	_ =	shalt  }
0x59: {  	_ =	shalt  }
0x5a: {  	_ =	shalt  }
0x5b: {  	_ =	shalt  }
0x5c: {  	_ =	shalt  }
0x5d: {  	_ =	shalt  }
0x5e: {  	_ =	shalt  }
0x5f: {  	_ =	shalt  }
0x60: {  	_ =	shalt  }
0x61: {  	_ =	shalt  }
0x62: {  	_ =	shalt  }
0x63: {  	_ =	shalt  }
0x64: {  	_ =	shalt  }
0x65: {  	_ =	shalt  }
0x66: {  	_ =	shalt  }
0x67: {  	_ =	shalt  }
0x68: {  	_ =	shalt  }
0x69: {  	_ =	shalt  }
0x6a: {  	_ =	shalt  }
0x6b: {  	_ =	shalt  }
0x6c: {  	_ =	shalt  }
0x6d: {  	_ =	shalt  }
0x6e: {  	_ =	shalt  }
0x6f: {  	_ =	shalt  }
0x70: {  	_ =	shalt  }
0x71: {  	_ =	shalt  }
0x72: {  	_ =	shalt  }
0x73: {  	_ =	shalt  }
0x74: {  	_ =	shalt  }
0x75: {  	_ =	shalt  }
0x76: {  	_ =	shalt  }
0x77: {  	_ =	shalt  }
0x78: {  	_ =	shalt  }
0x79: {  	_ =	shalt  }
0x7a: {  	_ =	shalt  }
0x7b: {  	_ =	shalt  }
0x7c: {  	_ =	shalt  }
0x7d: {  	_ =	shalt  }
0x7e: {  	_ =	shalt  }
0x7f: {  	_ =	shalt  }
0x80: {  	_ =	shalt  }
0x81: {  	_ =	shalt  }
0x82: {  	_ =	shalt  }
0x83: {  	_ =	shalt  }
0x84: {  	_ =	shalt  }
0x85: {  	_ =	shalt  }
0x86: {  	_ =	shalt  }
0x87: {  	_ =	shalt  }
.Lfunc_end0:
.L_simem_size_0:
called_computation_lowered:
.L_overlay_start_0:
0x88: {  	s2 =	sld [smem:$0x3FD9]  }
0x89: {  	s3 =	sld [smem:$0x3FFE];
	_ =	sdelay $0x1  }
0x8a: {  	s1 =	srdreg.scid  }
0x8b: {  	s0 =	sand.u32 $0x1, s1  }
0x8c: {  	s17 =	sshll.u32 s0, $0xA;
	s2 =	sadd.s32 s3, s2  }
0x8d: {  	s2 =	sadd.s32 s2, s17  }
0x8e: {  	[smem:$0x3FC0] =	sst s2  }
0x8f: {  	_ = 	snop  }
0x90: {  	s2 =	sld [smem:$0x3FD0];
	(tm) =	ssettm $0x1  }
0x91: {  	s18 =	sld [smem:$0x3FFB];
	_ =	sdelay $0x3  }
0x92: {  	_ =	strace s18  }
0x93: {  	s3 =	sld [smem:$0x3FFC];
	_ =	sdelay $0x3  }
0x94: {  	_ =	strace s3  }
0x95: {  	s3 =	sld [smem:$0x3FFD];
	_ =	sdelay $0x3  }
0x96: {  	_ =	strace s3  }
0x97: {  	_ =	strace $0x8FFFFFFF  }
0x98: {  	s19 =	sld [smem:$0x3FDB];
	_ =	sdelay $0x1  }
0x99: {  	s4 =	simm.s32 $_scs_section_size  }
0x9a: {  	s5 =	simm.s32 $_size__tile_overlayer_lowered;
	s6 =	simm.s32 $_tile_overlayer_lowered  }
0x9b: {  	s22 =	simm.s32 $0x1BFF;
	s21 =	sshll.u32 s6, $0x1;
	s3 =	sadd.s32 s4, s19  }
0x9c: {  	s7 =	simm.s32 $0x0;
	s20 =	sshll.u32 s5, $0x1;
	s5 =	sadd.s32 s21, s3  }
0x9d: {  	[timem:s7], [sflag:s22] =	dma.local [hbm:s5], s20  }
0x9e: {  	_ =	swait.ge [sflag:s22], s20  }
0x9f: {  	s4 =	ssub.s32 $0x0, s20;
	[sflag:s22] =	ssyncset.done $0x0  }
0xa0: {  	[sflag:s22] =	ssyncadd.s32 s4;
	_ =	sdelay $0x1  }
0xa1: {  	s23 =	simm.s32 $0x1B8B  }
0xa2: {  	_ =	swait.ge [sflag:s23], $0x1  }
0xa3: {  	[sflag:s23] =	ssyncset.done $0x0  }
0xa4: {  	s25 =	simm.s32 $0x1B8E;
	s24 =	sld [smem:$0x3FFE];
	[sflag:s23] =	ssyncadd.s32 $0xFFFFFFFF  }
0xa5: {  	s26 =	simm.s32 $execute0_lowered;
	[smem:$0x3FD2] =	sst s25  }
0xa6: {  	s5 =	sshll.u32 s26, $0x1;
	_ =	strace $0x80000046;
	[dreg:$0x1] =	wrdreg $0xFFFFFFFF  }
0xa7: {  	s28 =	simm.s32 $_size_execute0_lowered;
	s3 =	sadd.s32 s3, s5;
	[dreg:$0x0] =	wrdreg $0x0  }
0xa8: {  	s5 =	sshll.u32 s28, $0x1;
	[dreg:$0x2] =	wrdreg s3  }
0xa9: {  	[dreg:$0x3] =	wrdreg s5  }
0xaa: {  	[dreg:$0x4] =	wrdreg $0xC0  }
0xab: {  	_ =	task [dreg:s7], $0x5FFFF  }
0xac: {  	[dreg:$0x1] =	wrdreg $0xFFFFFFFF  }
0xad: {  	[dreg:$0x0] =	wrdreg $0x60  }
0xae: {  	[dreg:$0x2] =	wrdreg s24  }
0xaf: {  	[dreg:$0x3] =	wrdreg s2  }
0xb0: {  	[dreg:$0x4] =	wrdreg $0xA8000  }
0xb1: {  	[dreg:$0x5] =	wrdreg $0x1EB000  }
0xb2: {  	[dreg:$0x6] =	wrdreg $0x9  }
0xb3: {  	_ =	task.clear_ibuf [dreg:s7], $0x7FFFF;
	_ =	strace $0x90000046  }
0xb4: {  	s29 =	simm.s32 $0x9;
	_ =	strace $0x80000048  }
0xb5: {  	_ =	swait.ge [sflag:s29], $0x1  }
0xb6: {  	[sflag:s29] =	ssyncadd.s32 $0xFFFFFFFF  }
0xb7: {  	_ =	strace $0x90000048  }
0xb8: {  	_ =	sfence  }
0xb9: {  	s30 =	sld [smem:$0x0];
	_ =	sdelay $0x2  }
0xba: {  	s31 =	sshll.u32 s1, $0xD;
	s1 =	sshrl.u32 s1, $0x2  }
0xbb: {  	s3 =	sand.u32 $0x4000, s31;
	s1 =	sadd.s32 s1, s30  }
0xbc: {  	s0 =	sor.u32 s3, s0;
	s1 =	sshll.u32 s1, $0x11  }
0xbd: {  	s0 =	sor.u32 s1, s0  }
0xbe: {  	s0 =	sadd.s32 $0x8F2B, s0  }
0xbf: {  	[sflag:s0] =	ssyncadd.remote.s32 $0x1  }
0xc0: {  	_ =	sfence.sel $0xFFFF  }
0xc1: {  	[dreg:$0x0] =	wrdreg $0xFFFFFFFF;
	(pc) =	sbr.abs _section_cstart, $3  }
0xc2: {  	[dreg:$0x1] =	wrdreg $0xFFFFFFFF  }
0xc3: {  	_ =	task.clear_ibuf [dreg:s7], $0x2FFFF;
	_ =	strace $0x9FFFFFFF  }
0xc4: {  	(tm) =	ssettm $0x7FFFFFFF  }
0xc5: {  	_ =	shalt  }
tec
execute0_lowered:
.L_overlay_start_1:
0x0: {  	(tag) =	ssettag $0x1  }
0x1: {  	s0 =	rddreg [dreg:$0x0]  }
0x2: {  	s14 =	rddreg [dreg:$0x1]  }
0x3: {  	s2 =	rddreg [dreg:$0x2];
	s1 =	srdreg.scid  }
0x4: {  	s3 =	rddreg [dreg:$0x3];
	s22 =	stileid.u32;
	s4 =	simm.s32 $0x0  }
0x5: {  	s19 =	simm.s32 $0x2800;
	s20 =	simm.s32 $0x3;
	s28 =	simm.s32 $0x2700  }
0x6: {  	s29 =	simm.s32 $0x2780;
	s30 =	simm.s32 $0x1E800;
	s8 =	smul.u32 $0x14000, s22  }
0x7: {  	s6 =	sand.u32 $0x1, s1;
	[smem:$0x7FF] =	sst s4;
	s9 =	smul.u32 $0x500, s22  }
0x8: {  	s5 =	sadd.s32 $0xC600, s0;
	s15 =	sadd.s32 $0x2600, s0;
	s24 =	smul.u32 $0x50000, s22  }
0x9: {  	s31 =	sshll.u32 s22, $0x1;
	s11 =	smul.u32 $0xA00, s22;
	s22 =	simm.s32 $0x1400  }
0xa: {  	s1 =	simm.s32 $0x10;
	s7 =	smul.u32 $0x140000, s6;
	s10 =	sshll.u32 s6, $0x7  }
0xb: {  	_ =	strace $0x80000047;
	s25 =	ssub.s32 $0x2, s6;
	s23 =	sor.u32 s10, s9  }
0xc: {  	s26 =	sshrl.u32 s25, $0x1;
	s9 =	sshrl.u32 s24, $0x2;
	s10 =	sor.u32 s6, s31  }
0xd: {  	s11 =	sshrl.u32 s11, $0x2;
	s24 =	simm.s32 $0x6800;
	s7 =	sadd.s32 s8, s7  }
0xe: {  	s8 =	sshrl.u32 s23, $0x3;
	s6 =	sadd.s32 s9, s2;
	s18 =	ssub.s32 s25, s26  }
0xf: {  	s12 =	smul.u32 $0x2800, s10;
	s11 =	sadd.s32 s11, s3;
	s23 =	simm.s32 $0x80  }
0x10: {  	s25 =	simm.s32 $0x1;
	s26 =	simm.s32 $0x2;
	s7 =	sshrl.u32 s7, $0x3  }
0x11: {  	s9 =	sadd.s32 $0xC000, s6;
	s10 =	sadd.s32 $0x10000, s6;
	s18 =	smax.u32 s18, $0x1  }
0x12: {  	s16 =	sadd.s32 s7, s0;
	s0 =	sadd.s32 s8, s0;
	s17 =	sshrl.u32 s12, $0x3  }
0x13: {  	s7 =	sadd.s32 $0x4000, s6;
	s8 =	sadd.s32 $0x8000, s6;
	s12 =	sadd.s32 s14, s17  }
0x14: {  	s13 =	sadd.s32 s15, s17;
	s17 =	sadd.s32 $0x280, s17;
	s16 =	sadd.s32 $0x34600, s16  }
0x15: {  	v0 =	vimm.f32 $0.0e+00;
	v1 =	vimm.f32 $1.000000000e+00;
	s14 =	sadd.s32 s14, s17;
	s15 =	sadd.s32 s15, s17;
	s17 =	sadd.s32 $0x84600, s0  }
.LBB2_1:
0x16: {  	s21 =	simm.s32 $0x0;
	s31 =	simm.s32 $0x200  }
.LBB2_2:
0x17: {  	p0 =	sne.s32 s31, $0xFE00;
	[tilespmem:s21+$0x2870] =	vst v0  }
0x18: {  	[tilespmem:s21+$0x2800] =	vst v0  }
0x19: {  	[tilespmem:s21+$0x2810] =	vst v0  }
.Ltmp0:
0x1a: {  	[tilespmem:s21+$0x2820] =	vst v0;
	(pc) =	sbr.rel @p0 .LBB2_2-.Ltmp0, $4  }
0x1b: {  	[tilespmem:s21+$0x2830] =	vst v0  }
0x1c: {  	[tilespmem:s21+$0x2840] =	vst v0  }
0x1d: {  	[tilespmem:s21+$0x2850] =	vst v0  }
0x1e: {  	[tilespmem:s21+$0x2860] =	vst v0;
	s21 =	sshra.s32 s31, $0x2;
	s31 =	sadd.s32 $0x200, s31  }
0x1f: {  	[tilespmem:s21+$0x2870] =	vst v0  }
0x20: {  	[tilespmem:s21+$0x2800] =	vst v0  }
0x21: {  	[tilespmem:s21+$0x2810] =	vst v0  }
0x22: {  	[tilespmem:s21+$0x2820] =	vst v0  }
0x23: {  	[tilespmem:s21+$0x2830] =	vst v0  }
0x24: {  	[tilespmem:s21+$0x2840] =	vst v0  }
0x25: {  	[tilespmem:s21+$0x2850] =	vst v0  }
0x26: {  	[tilespmem:s21+$0x2860] =	vst v0  }
0x27: {  	[spmem:s6] =	stream.linear.scatter [tilespmem:s19], [sflag:$0x3], $0x4000, $0x38;
	[tilespmem:$0x1ED80] =	vst v63  }
0x28: {  	_ =	swait.ge [sflag:s20], $0x4000  }
0x29: {  	[sflag:s20] =	ssyncset.done $0x0  }
0x2a: {  	[sflag:s20] =	ssyncadd.s32 $0xFFFFC000  }
0x2b: {  	[spmem:s7] =	stream.linear.scatter [tilespmem:s19], [sflag:$0x3], $0x4000, $0x38;
	[tilespmem:$0x1ED80] =	vst v63  }
0x2c: {  	_ =	swait.ge [sflag:s20], $0x4000  }
0x2d: {  	[sflag:s20] =	ssyncset.done $0x0  }
0x2e: {  	[sflag:s20] =	ssyncadd.s32 $0xFFFFC000  }
0x2f: {  	[spmem:s8] =	stream.linear.scatter [tilespmem:s19], [sflag:$0x3], $0x4000, $0x38;
	[tilespmem:$0x1ED80] =	vst v63  }
0x30: {  	_ =	swait.ge [sflag:s20], $0x4000  }
0x31: {  	[sflag:s20] =	ssyncset.done $0x0  }
0x32: {  	[sflag:s20] =	ssyncadd.s32 $0xFFFFC000  }
0x33: {  	[spmem:s9] =	stream.linear.scatter [tilespmem:s19], [sflag:$0x3], $0x4000, $0x38;
	[tilespmem:$0x1ED80] =	vst v63  }
0x34: {  	_ =	swait.ge [sflag:s20], $0x4000  }
0x35: {  	[sflag:s20] =	ssyncset.done $0x0  }
0x36: {  	[sflag:s20] =	ssyncadd.s32 $0xFFFFC000  }
0x37: {  	[spmem:s10] =	stream.linear.scatter [tilespmem:s19], [sflag:$0x3], $0x4000, $0x38;
	[tilespmem:$0x1ED80] =	vst v63  }
0x38: {  	_ =	swait.ge [sflag:s20], $0x4000  }
0x39: {  	[sflag:s20] =	ssyncset.done $0x0  }
0x3a: {  	[sflag:s20] =	ssyncadd.s32 $0xFFFFC000  }
0x3b: {  	[tilespmem:$0x1E800] =	vst v1  }
0x3c: {  	[tilespmem:$0x1E810] =	vst v1  }
0x3d: {  	[tilespmem:$0x1E820] =	vst v1  }
0x3e: {  	[tilespmem:$0x1E830] =	vst v1  }
0x3f: {  	[tilespmem:$0x1E840] =	vst v1  }
0x40: {  	[tilespmem:$0x1E850] =	vst v1  }
0x41: {  	[tilespmem:$0x1E860] =	vst v1  }
0x42: {  	[tilespmem:$0x1E870] =	vst v1  }
0x43: {  	[tilespmem:$0x1E880] =	vst v0  }
0x44: {  	[tilespmem:$0x1E890] =	vst v0  }
0x45: {  	[tilespmem:$0x1E8A0] =	vst v0  }
0x46: {  	[tilespmem:$0x1E8B0] =	vst v0  }
0x47: {  	[tilespmem:$0x1E8C0] =	vst v0  }
0x48: {  	[tilespmem:$0x1E8D0] =	vst v0  }
0x49: {  	[tilespmem:$0x1E8E0] =	vst v0  }
0x4a: {  	[tilespmem:$0x1E8F0] =	vst v0  }
0x4b: {  	[tilespmem:$0x1E900] =	vst v0  }
0x4c: {  	[tilespmem:$0x1E910] =	vst v0  }
0x4d: {  	[tilespmem:$0x1E920] =	vst v0  }
0x4e: {  	[tilespmem:$0x1E930] =	vst v0  }
0x4f: {  	[tilespmem:$0x1E940] =	vst v0  }
0x50: {  	[tilespmem:$0x1E950] =	vst v0  }
0x51: {  	[tilespmem:$0x1E960] =	vst v0  }
0x52: {  	[tilespmem:$0x1E970] =	vst v0  }
0x53: {  	[tilespmem:$0x1E980] =	vst v0  }
0x54: {  	[tilespmem:$0x1E990] =	vst v0  }
0x55: {  	[tilespmem:$0x1E9A0] =	vst v0  }
0x56: {  	[tilespmem:$0x1E9B0] =	vst v0  }
0x57: {  	[tilespmem:$0x1E9C0] =	vst v0  }
0x58: {  	[tilespmem:$0x1E9D0] =	vst v0  }
0x59: {  	[tilespmem:$0x1E9E0] =	vst v0  }
0x5a: {  	[tilespmem:$0x1E9F0] =	vst v0  }
0x5b: {  	[tilespmem:$0x1EA00] =	vst v0  }
0x5c: {  	[tilespmem:$0x1EA10] =	vst v0  }
0x5d: {  	[tilespmem:$0x1EA20] =	vst v0  }
0x5e: {  	[tilespmem:$0x1EA30] =	vst v0  }
0x5f: {  	[tilespmem:$0x1EA40] =	vst v0  }
0x60: {  	[tilespmem:$0x1EA50] =	vst v0  }
0x61: {  	[tilespmem:$0x1EA60] =	vst v0  }
0x62: {  	[tilespmem:$0x1EA70] =	vst v0  }
0x63: {  	[tilespmem:$0x1EA80] =	vst v0  }
0x64: {  	[tilespmem:$0x1EA90] =	vst v0  }
0x65: {  	[tilespmem:$0x1EAA0] =	vst v0  }
0x66: {  	[tilespmem:$0x1EAB0] =	vst v0  }
0x67: {  	[tilespmem:$0x1EAC0] =	vst v0  }
0x68: {  	[tilespmem:$0x1EAD0] =	vst v0  }
0x69: {  	[tilespmem:$0x1EAE0] =	vst v0  }
0x6a: {  	s0 =	simm.s32 $0x1E880;
	[tilespmem:$0x1EAF0] =	vst v0  }
0x6b: {  	[spmem:s11] =	stream.linear.scatter [tilespmem:s0], [sflag:$0x3], $0x280, $0x38;
	[tilespmem:$0x1ED80] =	vst v63  }
0x6c: {  	_ =	swait.ge [sflag:s20], $0x280  }
0x6d: {  	[sflag:s20] =	ssyncset.done $0x0  }
0x6e: {  	[sflag:s20] =	ssyncadd.s32 $0xFFFFFD80  }
0x6f: {  	s0 =	simm.s32 $0x0;
	[bflag:$0x0] =	sbarrier.arrive $0xFFFF  }
0x70: {  	[tilespmem:s0], [sflag:$0x3] =	stream.linear.gather [hbm4b:s12+s0], $0x1400, $0x38;
	[tilespmem:$0x1ED80] =	vst v63  }
0x71: {  	_ =	swait.ge [sflag:s20], $0x1400  }
0x72: {  	[sflag:s20] =	ssyncset.done $0x0  }
0x73: {  	[sflag:s20] =	ssyncadd.s32 $0xFFFFEC00  }
0x74: {  	[tilespmem:s22], [sflag:$0x3] =	stream.linear.gather [hbm4b:s13+s0], $0x1400, $0x38;
	[tilespmem:$0x1ED80] =	vst v63  }
0x75: {  	_ =	swait.ge [sflag:s20], $0x1400  }
0x76: {  	[sflag:s20] =	ssyncset.done $0x0  }
0x77: {  	[sflag:s20] =	ssyncadd.s32 $0xFFFFEC00  }
0x78: {  	[tilespmem:s19], [sflag:$0x1] =	stream.indirect.gather [hbm4b:s5+s23], $0x80, s0, s23, $0xb8;
	[tilespmem:$0x1ED80] =	vst v63  }
0x79: {  	_ = 	snop  }
0x7a: {  	[tilespmem:s24], [sflag:$0x2] =	stream.indirect.gather [hbm4b:s5+s23], $0x80, s23, s23, $0xb8;
	[tilespmem:$0x1ED80] =	vst v63  }
0x7b: {  	_ =	swait.ge [sflag:s25], $0x4000  }
0x7c: {  	[sflag:s25] =	ssyncset.done $0x0  }
0x7d: {  	s0 =	simm.s32 $0x1400;
	[sflag:s25] =	ssyncadd.s32 $0xFFFFC000  }
0x7e: {  	[spmem:s2] =	stream.indirect.scatter.add.f32 [tilespmem:s19], [sflag:$0x3], $0x80, s0, s23, $0xb8;
	[tilespmem:$0x1ED80] =	vst v63  }
0x7f: {  	_ =	swait.ge [sflag:s20], $0x4000  }
0x80: {  	[sflag:s20] =	ssyncset.done $0x0  }
0x81: {  	s0 =	simm.s32 $0x100;
	[sflag:s20] =	ssyncadd.s32 $0xFFFFC000  }
0x82: {  	[tilespmem:s19], [sflag:$0x1] =	stream.indirect.gather [hbm4b:s5+s23], $0x80, s0, s23, $0xb8;
	[tilespmem:$0x1ED80] =	vst v63  }
0x83: {  	_ =	swait.ge [sflag:s26], $0x4000  }
0x84: {  	[sflag:s26] =	ssyncset.done $0x0  }
0x85: {  	s0 =	simm.s32 $0x1480;
	[sflag:s26] =	ssyncadd.s32 $0xFFFFC000  }
0x86: {  	[spmem:s2] =	stream.indirect.scatter.add.f32 [tilespmem:s24], [sflag:$0x3], $0x80, s0, s23, $0xb8;
	[tilespmem:$0x1ED80] =	vst v63  }
0x87: {  	_ =	swait.ge [sflag:s20], $0x4000  }
0x88: {  	[sflag:s20] =	ssyncset.done $0x0  }
0x89: {  	s21 =	simm.s32 $0x400;
	s31 =	simm.s32 $0x180;
	[sflag:s20] =	ssyncadd.s32 $0xFFFFC000  }
.LBB2_4:
0x8a: {  	[tilespmem:s24], [sflag:$0x2] =	stream.indirect.gather [hbm4b:s5+s23], $0x80, s31, s23, $0xb8;
	[tilespmem:$0x1ED80] =	vst v63  }
0x8b: {  	s31 =	smov.u32 s21  }
0x8c: {  	p0 =	sne.s32 s21, $0x4800;
	s21 =	sadd.s32 $0x400, s21;
	_ =	swait.ge [sflag:s25], $0x4000  }
0x8d: {  	s31 =	sshra.s32 s31, $0x2;
	[sflag:s25] =	ssyncset.done $0x0  }
0x8e: {  	s0 =	sadd.s32 $0x1400, s31;
	[sflag:s25] =	ssyncadd.s32 $0xFFFFC000  }
0x8f: {  	[spmem:s2] =	stream.indirect.scatter.add.f32 [tilespmem:s19], [sflag:$0x3], $0x80, s0, s23, $0xb8;
	[tilespmem:$0x1ED80] =	vst v63  }
0x90: {  	_ =	swait.ge [sflag:s20], $0x4000  }
0x91: {  	[sflag:s20] =	ssyncset.done $0x0  }
0x92: {  	s0 =	sadd.s32 $0x100, s31;
	[sflag:s20] =	ssyncadd.s32 $0xFFFFC000  }
0x93: {  	[tilespmem:s19], [sflag:$0x1] =	stream.indirect.gather [hbm4b:s5+s23], $0x80, s0, s23, $0xb8;
	[tilespmem:$0x1ED80] =	vst v63  }
0x94: {  	_ =	swait.ge [sflag:s26], $0x4000  }
0x95: {  	[sflag:s26] =	ssyncset.done $0x0  }
.Ltmp1:
0x96: {  	s0 =	sadd.s32 $0x1480, s31;
	[sflag:s26] =	ssyncadd.s32 $0xFFFFC000;
	(pc) =	sbr.rel @p0 .LBB2_4-.Ltmp1, $4  }
0x97: {  	[spmem:s2] =	stream.indirect.scatter.add.f32 [tilespmem:s24], [sflag:$0x3], $0x80, s0, s23, $0xb8;
	[tilespmem:$0x1ED80] =	vst v63  }
0x98: {  	_ =	swait.ge [sflag:s20], $0x4000  }
0x99: {  	[sflag:s20] =	ssyncset.done $0x0  }
0x9a: {  	s31 =	sadd.s32 $0x180, s31;
	[sflag:s20] =	ssyncadd.s32 $0xFFFFC000  }
0x9b: {  	[tilespmem:s24], [sflag:$0x2] =	stream.indirect.gather [hbm4b:s5+s23], $0x80, s31, s23, $0xb8;
	[tilespmem:$0x1ED80] =	vst v63  }
0x9c: {  	_ =	swait.ge [sflag:s25], $0x4000  }
0x9d: {  	[sflag:s25] =	ssyncset.done $0x0  }
0x9e: {  	[sflag:s25] =	ssyncadd.s32 $0xFFFFC000  }
0x9f: {  	[spmem:s2] =	stream.indirect.scatter.add.f32 [tilespmem:s19], [sflag:$0x3], $0x80, s28, s23, $0xb8;
	[tilespmem:$0x1ED80] =	vst v63  }
0xa0: {  	_ =	swait.ge [sflag:s20], $0x4000  }
0xa1: {  	[sflag:s20] =	ssyncset.done $0x0  }
0xa2: {  	s0 =	simm.s32 $0x0;
	[sflag:s20] =	ssyncadd.s32 $0xFFFFC000  }
0xa3: {  	[tilespmem:s19], [sflag:$0x1] =	stream.indirect.gather [hbm4b:s5+s23], $0x80, s0, s23, $0xb8;
	[tilespmem:$0x1ED80] =	vst v63  }
0xa4: {  	_ =	swait.ge [sflag:s26], $0x4000  }
0xa5: {  	[sflag:s26] =	ssyncset.done $0x0  }
0xa6: {  	[sflag:s26] =	ssyncadd.s32 $0xFFFFC000  }
0xa7: {  	[spmem:s2] =	stream.indirect.scatter.add.f32 [tilespmem:s24], [sflag:$0x3], $0x80, s29, s23, $0xb8;
	[tilespmem:$0x1ED80] =	vst v63  }
0xa8: {  	_ =	swait.ge [sflag:s20], $0x4000  }
0xa9: {  	[sflag:s20] =	ssyncset.done $0x0  }
0xaa: {  	[sflag:s20] =	ssyncadd.s32 $0xFFFFC000  }
0xab: {  	[tilespmem:s24], [sflag:$0x2] =	stream.indirect.gather [hbm4b:s5+s23], $0x80, s23, s23, $0xb8;
	[tilespmem:$0x1ED80] =	vst v63  }
0xac: {  	_ =	swait.ge [sflag:s25], $0x4000  }
0xad: {  	[sflag:s25] =	ssyncset.done $0x0  }
0xae: {  	[sflag:s25] =	ssyncadd.s32 $0xFFFFC000  }
0xaf: {  	_ =	swait.ge [sflag:s26], $0x4000  }
0xb0: {  	[sflag:s26] =	ssyncset.done $0x0  }
0xb1: {  	s31 =	simm.s32 $0x1400;
	[sflag:s26] =	ssyncadd.s32 $0xFFFFC000  }
0xb2: {  	[spmem:s3] =	stream.indirect.scatter.add.f32 [tilespmem:s30], [sflag:$0x3], $0x1, s31, s23, $0xb8;
	[tilespmem:$0x1ED80] =	vst v63  }
0xb3: {  	s21 =	simm.s32 $0x200;
	_ =	swait.ge [sflag:s20], $0x80  }
.LBB2_6:
0xb4: {  	s0 =	sshra.s32 s21, $0x2;
	[sflag:s20] =	ssyncset.done $0x0;
	p0 =	sne.s32 s21, $0x4E00  }
.Ltmp2:
0xb5: {  	s0 =	sadd.s32 $0x1400, s0;
	[sflag:s20] =	ssyncadd.s32 $0xFFFFFF80;
	(pc) =	sbr.rel @p0 .LBB2_6-.Ltmp2, $3  }
0xb6: {  	[spmem:s3] =	stream.indirect.scatter.add.f32 [tilespmem:s30], [sflag:$0x3], $0x1, s0, s23, $0xb8;
	[tilespmem:$0x1ED80] =	vst v63  }
0xb7: {  	s21 =	sadd.s32 $0x200, s21;
	_ =	sdelay $0x1  }
0xb8: {  	_ =	swait.ge [sflag:s20], $0x80  }
0xb9: {  	[sflag:s20] =	ssyncset.done $0x0  }
0xba: {  	s0 =	simm.s32 $0x0;
	[sflag:s20] =	ssyncadd.s32 $0xFFFFFF80  }
0xbb: {  	[tilespmem:s0], [sflag:$0x3] =	stream.linear.gather [hbm4b:s14+s0], $0x1400, $0x38;
	[tilespmem:$0x1ED80] =	vst v63  }
0xbc: {  	_ =	swait.ge [sflag:s20], $0x1400  }
0xbd: {  	[sflag:s20] =	ssyncset.done $0x0  }
0xbe: {  	[sflag:s20] =	ssyncadd.s32 $0xFFFFEC00  }
0xbf: {  	[tilespmem:s22], [sflag:$0x3] =	stream.linear.gather [hbm4b:s15+s0], $0x1400, $0x38;
	[tilespmem:$0x1ED80] =	vst v63  }
0xc0: {  	_ =	swait.ge [sflag:s20], $0x1400  }
0xc1: {  	[sflag:s20] =	ssyncset.done $0x0  }
0xc2: {  	[sflag:s20] =	ssyncadd.s32 $0xFFFFEC00  }
0xc3: {  	[tilespmem:s19], [sflag:$0x1] =	stream.indirect.gather [hbm4b:s5+s23], $0x80, s0, s23, $0xb8;
	[tilespmem:$0x1ED80] =	vst v63  }
0xc4: {  	_ = 	snop  }
0xc5: {  	[tilespmem:s24], [sflag:$0x2] =	stream.indirect.gather [hbm4b:s5+s23], $0x80, s23, s23, $0xb8;
	[tilespmem:$0x1ED80] =	vst v63  }
0xc6: {  	_ =	swait.ge [sflag:s25], $0x4000  }
0xc7: {  	[sflag:s25] =	ssyncset.done $0x0  }
0xc8: {  	s21 =	simm.s32 $0x1400;
	[sflag:s25] =	ssyncadd.s32 $0xFFFFC000  }
0xc9: {  	[spmem:s2] =	stream.indirect.scatter.add.f32 [tilespmem:s19], [sflag:$0x3], $0x80, s21, s23, $0xb8;
	[tilespmem:$0x1ED80] =	vst v63  }
0xca: {  	_ =	swait.ge [sflag:s20], $0x4000  }
0xcb: {  	[sflag:s20] =	ssyncset.done $0x0  }
0xcc: {  	s21 =	simm.s32 $0x100;
	[sflag:s20] =	ssyncadd.s32 $0xFFFFC000  }
0xcd: {  	[tilespmem:s19], [sflag:$0x1] =	stream.indirect.gather [hbm4b:s5+s23], $0x80, s21, s23, $0xb8;
	[tilespmem:$0x1ED80] =	vst v63  }
0xce: {  	_ =	swait.ge [sflag:s26], $0x4000  }
0xcf: {  	[sflag:s26] =	ssyncset.done $0x0  }
0xd0: {  	s21 =	simm.s32 $0x1480;
	[sflag:s26] =	ssyncadd.s32 $0xFFFFC000  }
0xd1: {  	[spmem:s2] =	stream.indirect.scatter.add.f32 [tilespmem:s24], [sflag:$0x3], $0x80, s21, s23, $0xb8;
	[tilespmem:$0x1ED80] =	vst v63  }
0xd2: {  	_ =	swait.ge [sflag:s20], $0x4000  }
0xd3: {  	[sflag:s20] =	ssyncset.done $0x0  }
0xd4: {  	s31 =	simm.s32 $0x180;
	s21 =	simm.s32 $0x400;
	[sflag:s20] =	ssyncadd.s32 $0xFFFFC000  }
.LBB2_8:
0xd5: {  	[tilespmem:s24], [sflag:$0x2] =	stream.indirect.gather [hbm4b:s5+s23], $0x80, s31, s23, $0xb8;
	[tilespmem:$0x1ED80] =	vst v63  }
0xd6: {  	s0 =	smov.u32 s21  }
0xd7: {  	p0 =	sne.s32 s21, $0x4800;
	s21 =	sadd.s32 $0x400, s21;
	_ =	swait.ge [sflag:s25], $0x4000  }
0xd8: {  	s0 =	sshra.s32 s0, $0x2;
	[sflag:s25] =	ssyncset.done $0x0  }
0xd9: {  	s31 =	sadd.s32 $0x1400, s0;
	[sflag:s25] =	ssyncadd.s32 $0xFFFFC000  }
0xda: {  	[spmem:s2] =	stream.indirect.scatter.add.f32 [tilespmem:s19], [sflag:$0x3], $0x80, s31, s23, $0xb8;
	[tilespmem:$0x1ED80] =	vst v63  }
0xdb: {  	_ =	swait.ge [sflag:s20], $0x4000  }
0xdc: {  	[sflag:s20] =	ssyncset.done $0x0  }
0xdd: {  	s31 =	sadd.s32 $0x100, s0;
	[sflag:s20] =	ssyncadd.s32 $0xFFFFC000  }
0xde: {  	[tilespmem:s19], [sflag:$0x1] =	stream.indirect.gather [hbm4b:s5+s23], $0x80, s31, s23, $0xb8;
	[tilespmem:$0x1ED80] =	vst v63  }
0xdf: {  	_ =	swait.ge [sflag:s26], $0x4000  }
0xe0: {  	[sflag:s26] =	ssyncset.done $0x0  }
.Ltmp3:
0xe1: {  	s31 =	sadd.s32 $0x1480, s0;
	[sflag:s26] =	ssyncadd.s32 $0xFFFFC000;
	(pc) =	sbr.rel @p0 .LBB2_8-.Ltmp3, $4  }
0xe2: {  	[spmem:s2] =	stream.indirect.scatter.add.f32 [tilespmem:s24], [sflag:$0x3], $0x80, s31, s23, $0xb8;
	[tilespmem:$0x1ED80] =	vst v63  }
0xe3: {  	_ =	swait.ge [sflag:s20], $0x4000  }
0xe4: {  	[sflag:s20] =	ssyncset.done $0x0  }
0xe5: {  	s31 =	sadd.s32 $0x180, s0;
	[sflag:s20] =	ssyncadd.s32 $0xFFFFC000  }
0xe6: {  	[tilespmem:s24], [sflag:$0x2] =	stream.indirect.gather [hbm4b:s5+s23], $0x80, s31, s23, $0xb8;
	[tilespmem:$0x1ED80] =	vst v63  }
0xe7: {  	_ =	swait.ge [sflag:s25], $0x4000  }
0xe8: {  	[sflag:s25] =	ssyncset.done $0x0  }
0xe9: {  	[sflag:s25] =	ssyncadd.s32 $0xFFFFC000  }
0xea: {  	[spmem:s2] =	stream.indirect.scatter.add.f32 [tilespmem:s19], [sflag:$0x3], $0x80, s28, s23, $0xb8;
	[tilespmem:$0x1ED80] =	vst v63  }
0xeb: {  	_ =	swait.ge [sflag:s20], $0x4000  }
0xec: {  	[sflag:s20] =	ssyncset.done $0x0  }
0xed: {  	s0 =	simm.s32 $0x0;
	[sflag:s20] =	ssyncadd.s32 $0xFFFFC000  }
0xee: {  	[tilespmem:s19], [sflag:$0x1] =	stream.indirect.gather [hbm4b:s5+s23], $0x80, s0, s23, $0xb8;
	[tilespmem:$0x1ED80] =	vst v63  }
0xef: {  	_ =	swait.ge [sflag:s26], $0x4000  }
0xf0: {  	[sflag:s26] =	ssyncset.done $0x0  }
0xf1: {  	[sflag:s26] =	ssyncadd.s32 $0xFFFFC000  }
0xf2: {  	[spmem:s2] =	stream.indirect.scatter.add.f32 [tilespmem:s24], [sflag:$0x3], $0x80, s29, s23, $0xb8;
	[tilespmem:$0x1ED80] =	vst v63  }
0xf3: {  	_ =	swait.ge [sflag:s20], $0x4000  }
0xf4: {  	[sflag:s20] =	ssyncset.done $0x0  }
0xf5: {  	[sflag:s20] =	ssyncadd.s32 $0xFFFFC000  }
0xf6: {  	[tilespmem:s24], [sflag:$0x2] =	stream.indirect.gather [hbm4b:s5+s23], $0x80, s23, s23, $0xb8;
	[tilespmem:$0x1ED80] =	vst v63  }
0xf7: {  	_ =	swait.ge [sflag:s25], $0x4000  }
0xf8: {  	[sflag:s25] =	ssyncset.done $0x0  }
0xf9: {  	[sflag:s25] =	ssyncadd.s32 $0xFFFFC000  }
0xfa: {  	_ =	swait.ge [sflag:s26], $0x4000  }
0xfb: {  	[sflag:s26] =	ssyncset.done $0x0  }
0xfc: {  	s31 =	simm.s32 $0x1400;
	[sflag:s26] =	ssyncadd.s32 $0xFFFFC000  }
0xfd: {  	[spmem:s3] =	stream.indirect.scatter.add.f32 [tilespmem:s30], [sflag:$0x3], $0x1, s31, s23, $0xb8;
	[tilespmem:$0x1ED80] =	vst v63  }
0xfe: {  	s21 =	simm.s32 $0x200;
	_ =	swait.ge [sflag:s20], $0x80  }
.LBB2_10:
0xff: {  	s0 =	sshra.s32 s21, $0x2;
	[sflag:s20] =	ssyncset.done $0x0;
	p0 =	sne.s32 s21, $0x4E00  }
.Ltmp4:
0x100: {  	s0 =	sadd.s32 $0x1400, s0;
	[sflag:s20] =	ssyncadd.s32 $0xFFFFFF80;
	(pc) =	sbr.rel @p0 .LBB2_10-.Ltmp4, $3  }
0x101: {  	[spmem:s3] =	stream.indirect.scatter.add.f32 [tilespmem:s30], [sflag:$0x3], $0x1, s0, s23, $0xb8;
	[tilespmem:$0x1ED80] =	vst v63  }
0x102: {  	s21 =	sadd.s32 $0x200, s21;
	_ =	sdelay $0x1  }
0x103: {  	_ =	swait.ge [sflag:s20], $0x80  }
0x104: {  	[sflag:s20] =	ssyncset.done $0x0;
	s0 =	stileid.u32  }
0x105: {  	[sflag:s20] =	ssyncadd.s32 $0xFFFFFF80;
	s0 =	sshll.u32 s0, $0x6  }
0x106: {  	s21 =	sshrl.u32 s6, $0x3;
	[bflag:$0x0] =	sbarrier.arrive $0xFFFF;
	s0 =	sor.u32 $0x1C03, s0  }
0x107: {  	[hbm:s16], [sflag:s0] =	dma.local [spmem:s21], $0x2800  }
0x108: {  	s4 =	sadd.s32 $0x1, s4;
	_ =	swait.ge [sflag:s20], $0x2800  }
0x109: {  	s31 =	simm.s32 $0x20;
	p0 =	sne.s32 s4, s18;
	[sflag:s20] =	ssyncset.done $0x0  }
.Ltmp5:
0x10a: {  	s21 =	sshrl.u32 s11, $0x3;
	[sflag:s20] =	ssyncadd.s32 $0xFFFFD800;
	(pc) =	sbr.rel @p0 .LBB2_1-.Ltmp5, $4  }
0x10b: {  	[hbm:s17@s31], [sflag:s0] =	dma.strided [spmem:s21@s1], $0x50, s25, $0x10   }
0x10c: {  	_ =	swait.ge [sflag:s20], $0x50  }
0x10d: {  	[sflag:s20] =	ssyncset.done $0x0  }
0x10e: {  	[sflag:s20] =	ssyncadd.s32 $0xFFFFFFB0  }
0x10f: {  	_ =	sfence.sel $0x180000  }
0x110: {  	[bflag:$0x0] =	sbarrier.arrive $0xFFFF  }
0x111: {  	_ =	strace $0x90000047  }
0x112: {  	s0 =	stileid.u32;
	[bflag:$0x2] =	sbarrier.arrive $0xFFFF  }
0x113: {  	p0 =	sne.s32 s0, $0x0;
	s0 =	rddreg [dreg:$0x4]  }
0x114: {  	s0 =	sadd.s32 @!p0 $0x100000, s0  }
0x115: {  	[sflag:s0] =	ssyncadd.tile.s32 @!p0 $0x1;
	_ =	shalt  }
.Lfunc_end2:
_tile_overlayer_lowered:
.L_overlay_start_2:
0x116: {  	(tag) =	ssettag $0x2  }
0x117: {  	s0 =	rddreg [dreg:$0x0];
	s2 =	stileid.u32  }
0x118: {  	s1 =	rddreg [dreg:$0x1];
	p0 =	sne.s32 s2, $0x0  }
0x119: {  	s3 =	rddreg [dreg:$0x2];
	[bflag:$0x3] =	sbarrier.arrive $0xFFFF;
	s2 =	simm.s32 @!p0 $0x1C03  }
0x11a: {  	[timem:s3], [sflag:s2] =	dma.local @!p0 [hbm:s0], s1  }
0x11b: {  	s0 =	simm.s32 @!p0 $0x3  }
0x11c: {  	_ =	swait.ge @!p0 [sflag:s0], s1  }
0x11d: {  	s1 =	ssub.s32 @!p0 $0x0, s1;
	[sflag:s0] =	ssyncset.done @!p0 $0x0  }
0x11e: {  	[sflag:s0] =	ssyncadd.s32 @!p0 s1  }
0x11f: {  	[bflag:$0x3] =	sbarrier.arrive $0xFFFF  }
0x120: {  	_ =	shalt  }

// kernel: kernel.9.cloned.1.call-start
scs
__scs_entry_jumppad:
0x0: {  	(pc) =	sbr.rel $0x88, $3  }
0x1: {  	(tag) =	ssettag $0x0;
	lr =	simm.s32 $0x1  }
0x2: {  	[smem:$0x3F99] =	sst lr;
	_ =	strace $0xD0000000  }
0x3: {  	_ = 	snop  }
0x4: {  	_ = 	snop  }
0x5: {  	_ = 	snop  }
0x6: {  	_ = 	snop  }
0x7: {  	_ = 	snop  }
__scs_overlays_trampoline_lowered:
0x8: {  	[smem:$0x3FA8] =	sst s0  }
0x9: {  	[smem:$0x3FA9] =	sst s1  }
0xa: {  	[smem:$0x3FAA] =	sst s2  }
0xb: {  	[smem:$0x3FAB] =	sst s3  }
0xc: {  	[smem:$0x3FAC] =	sst s4  }
0xd: {  	[smem:$0x3FAD] =	sst s5  }
0xe: {  	[smem:$0x3FAE] =	sst s6  }
0xf: {  	[smem:$0x3FAF] =	sst s7  }
0x10: {  	[smem:$0x3FB0] =	sst s8  }
0x11: {  	[smem:$0x3FB1] =	sst s9;
	s0 =	simm.s32 @!p0 $0x0  }
0x12: {  	s1 =	sld [smem:$0x3F97];
	s0 =	simm.s32 @p0 $0x1  }
0x13: {  	[smem:$0x3FB2] =	sst s0;
	s0 =	simm.s32 @!p1 $0x0  }
0x14: {  	s2 =	sld [smem:$0x3F96];
	s0 =	simm.s32 @p1 $0x1  }
0x15: {  	[smem:$0x3FB3] =	sst s0;
	s0 =	simm.s32 @!p2 $0x0  }
0x16: {  	s3 =	sld [smem:$0x3FDB];
	s0 =	simm.s32 @p2 $0x1  }
0x17: {  	s4 =	simm.s32 $0x1BF5;
	[smem:$0x3FB5] =	sst s0  }
0x18: {  	s0 =	sld [smem:$0x3F98];
	_ =	swait.ge [sflag:s4], $0x0  }
0x19: {  	s7 =	sld [smem:$0x3F99]  }
0x1a: {  	s8 =	sadd.s32 $0xFFFFE003, lr  }
0x1b: {  	s9 =	sadd.s32 $0xFFFFFEF7, lr;
	s5 =	simm.s32 $0xFFFFFFFF;
	p2 =	slt.u32 s8, $0xFFFFF086  }
0x1c: {  	p1 =	slt.u32 s9, $0xF7A;
	s5 =	simm.s32 @!p2 $0x0  }
0x1d: {  	s5 =	simm.s32 @p1 $0x1;
	p0 =	seq.s32 s7, s2  }
0x1e: {  	s7 =	smul.u32 @!p0 $0xF7A, s2;
	p2 =	seq.s32 @!p0 s5, $0x0  }
0x1f: {  	s9 =	smul.u32 $0xF7A, s1;
	s8 =	simm.s32 @!p0 $0x1BF5;
	p2 =	por !p2, p0  }
0x20: {  	[sflag:s8] =	ssyncset.s32 @!p0 $0xFFFFF086;
	s6 =	sadd.s32 @!p0 s3, s7;
	s7 =	simm.s32 @!p0 $0x108  }
0x21: {  	s3 =	sadd.s32 s3, s9;
	s6 =	sadd.s32 @!p0 $0x88, s6;
	s7 =	simm.s32 @p2 $0x1082  }
0x22: {  	[simem:s7], [sflag:s8] =	dma.local @!p0 [hbm:s6], $0xF7A  }
0x23: {  	s9 =	sor.u32 $0xD0000000, s2;
	s6 =	simm.s32 $0x108;
	_ =	swait.ge @!p0 [sflag:s8], $0x0  }
0x24: {  	s3 =	sadd.s32 $0x88, s3;
	s6 =	simm.s32 @!p1 $0x1082;
	[sflag:s4] =	ssyncset.s32 $0xFFFFF086  }
0x25: {  	[simem:s6], [sflag:s4] =	dma.local [hbm:s3], $0xF7A  }
0x26: {  	[smem:$0x3F99] =	sst s1;
	(tag) =	ssettag s2;
	_ =	strace s9  }
0x27: {  	s1 =	sld [smem:$0x3FA9]  }
0x28: {  	s2 =	sld [smem:$0x3FAA]  }
0x29: {  	s4 =	sld [smem:$0x3FAC]  }
0x2a: {  	p0 =	seq.s32 s5, $0x0;
	s5 =	sld [smem:$0x3FAD]  }
0x2b: {  	s6 =	sld [smem:$0x3FAE]  }
0x2c: {  	s7 =	sld [smem:$0x3FAF]  }
0x2d: {  	s3 =	simm.s32 $0x108;
	s8 =	sld [smem:$0x3FB0]  }
0x2e: {  	s3 =	simm.s32 @!p0 $0x1082;
	s9 =	sld [smem:$0x3FB1]  }
0x2f: {  	lr =	sadd.s32 s0, s3;
	s0 =	sld [smem:$0x3FA8]  }
0x30: {  	s3 =	sld [smem:$0x3FAB]  }
0x31: {  	[smem:$0x3FB4] =	sst s10  }
0x32: {  	s10 =	sld [smem:$0x3FB2];
	_ =	sdelay $0x3  }
0x33: {  	p0 =	seq.s32 s10, $0x1;
	s10 =	sld [smem:$0x3FB4];
	_ =	sdelay $0x3  }
0x34: {  	[smem:$0x3FB4] =	sst s10  }
0x35: {  	s10 =	sld [smem:$0x3FB3];
	_ =	sdelay $0x3  }
0x36: {  	p1 =	seq.s32 s10, $0x1;
	s10 =	sld [smem:$0x3FB4];
	_ =	sdelay $0x3  }
0x37: {  	[smem:$0x3FB4] =	sst s10  }
0x38: {  	s10 =	sld [smem:$0x3FB5]  }
0x39: {  	_ = 	snop;
	(pc) =	sbr.ind lr, $3  }
0x3a: {  	_ = 	snop  }
0x3b: {  	_ = 	snop  }
0x3c: {  	p2 =	seq.s32 s10, $0x1;
	s10 =	sld [smem:$0x3FB4]  }
0x3d: {  	_ =	shalt  }
0x3e: {  	_ =	shalt  }
0x3f: {  	_ =	shalt  }
0x40: {  	_ =	shalt  }
0x41: {  	_ =	shalt  }
0x42: {  	_ =	shalt  }
0x43: {  	_ =	shalt  }
0x44: {  	_ =	shalt  }
0x45: {  	_ =	shalt  }
0x46: {  	_ =	shalt  }
0x47: {  	_ =	shalt  }
0x48: {  	_ =	shalt  }
0x49: {  	_ =	shalt  }
0x4a: {  	_ =	shalt  }
0x4b: {  	_ =	shalt  }
0x4c: {  	_ =	shalt  }
0x4d: {  	_ =	shalt  }
0x4e: {  	_ =	shalt  }
0x4f: {  	_ =	shalt  }
0x50: {  	_ =	shalt  }
0x51: {  	_ =	shalt  }
0x52: {  	_ =	shalt  }
0x53: {  	_ =	shalt  }
0x54: {  	_ =	shalt  }
0x55: {  	_ =	shalt  }
0x56: {  	_ =	shalt  }
0x57: {  	_ =	shalt  }
0x58: {  	_ =	shalt  }
0x59: {  	_ =	shalt  }
0x5a: {  	_ =	shalt  }
0x5b: {  	_ =	shalt  }
0x5c: {  	_ =	shalt  }
0x5d: {  	_ =	shalt  }
0x5e: {  	_ =	shalt  }
0x5f: {  	_ =	shalt  }
0x60: {  	_ =	shalt  }
0x61: {  	_ =	shalt  }
0x62: {  	_ =	shalt  }
0x63: {  	_ =	shalt  }
0x64: {  	_ =	shalt  }
0x65: {  	_ =	shalt  }
0x66: {  	_ =	shalt  }
0x67: {  	_ =	shalt  }
0x68: {  	_ =	shalt  }
0x69: {  	_ =	shalt  }
0x6a: {  	_ =	shalt  }
0x6b: {  	_ =	shalt  }
0x6c: {  	_ =	shalt  }
0x6d: {  	_ =	shalt  }
0x6e: {  	_ =	shalt  }
0x6f: {  	_ =	shalt  }
0x70: {  	_ =	shalt  }
0x71: {  	_ =	shalt  }
0x72: {  	_ =	shalt  }
0x73: {  	_ =	shalt  }
0x74: {  	_ =	shalt  }
0x75: {  	_ =	shalt  }
0x76: {  	_ =	shalt  }
0x77: {  	_ =	shalt  }
0x78: {  	_ =	shalt  }
0x79: {  	_ =	shalt  }
0x7a: {  	_ =	shalt  }
0x7b: {  	_ =	shalt  }
0x7c: {  	_ =	shalt  }
0x7d: {  	_ =	shalt  }
0x7e: {  	_ =	shalt  }
0x7f: {  	_ =	shalt  }
0x80: {  	_ =	shalt  }
0x81: {  	_ =	shalt  }
0x82: {  	_ =	shalt  }
0x83: {  	_ =	shalt  }
0x84: {  	_ =	shalt  }
0x85: {  	_ =	shalt  }
0x86: {  	_ =	shalt  }
0x87: {  	_ =	shalt  }
.Lfunc_end0:
.L_simem_size_0:
called_computation.1_lowered:
.L_overlay_start_0:
0x88: {  	s2 =	sld [smem:$0x3FD9]  }
0x89: {  	s3 =	sld [smem:$0x3FFE];
	_ =	sdelay $0x1  }
0x8a: {  	s1 =	srdreg.scid  }
0x8b: {  	s0 =	sand.u32 $0x1, s1  }
0x8c: {  	s17 =	sshll.u32 s0, $0xA;
	s2 =	sadd.s32 s3, s2  }
0x8d: {  	s2 =	sadd.s32 s2, s17  }
0x8e: {  	[smem:$0x3FC0] =	sst s2  }
0x8f: {  	_ = 	snop  }
0x90: {  	s2 =	sld [smem:$0x3FD0];
	(tm) =	ssettm $0x1  }
0x91: {  	s18 =	sld [smem:$0x3FFB];
	_ =	sdelay $0x3  }
0x92: {  	_ =	strace s18  }
0x93: {  	s3 =	sld [smem:$0x3FFC];
	_ =	sdelay $0x3  }
0x94: {  	_ =	strace s3  }
0x95: {  	s3 =	sld [smem:$0x3FFD];
	_ =	sdelay $0x3  }
0x96: {  	_ =	strace s3  }
0x97: {  	_ =	strace $0x8FFFFFFF  }
0x98: {  	s19 =	sld [smem:$0x3FDB];
	_ =	sdelay $0x1  }
0x99: {  	s4 =	simm.s32 $_scs_section_size  }
0x9a: {  	s5 =	simm.s32 $_size__tile_overlayer_lowered;
	s6 =	simm.s32 $_tile_overlayer_lowered  }
0x9b: {  	s22 =	simm.s32 $0x1BFF;
	s21 =	sshll.u32 s6, $0x1;
	s3 =	sadd.s32 s4, s19  }
0x9c: {  	s7 =	simm.s32 $0x0;
	s20 =	sshll.u32 s5, $0x1;
	s5 =	sadd.s32 s21, s3  }
0x9d: {  	[timem:s7], [sflag:s22] =	dma.local [hbm:s5], s20  }
0x9e: {  	_ =	swait.ge [sflag:s22], s20  }
0x9f: {  	s4 =	ssub.s32 $0x0, s20;
	[sflag:s22] =	ssyncset.done $0x0  }
0xa0: {  	[sflag:s22] =	ssyncadd.s32 s4;
	_ =	sdelay $0x1  }
0xa1: {  	s23 =	simm.s32 $0x1B8B  }
0xa2: {  	_ =	swait.ge [sflag:s23], $0x1  }
0xa3: {  	[sflag:s23] =	ssyncset.done $0x0  }
0xa4: {  	s25 =	simm.s32 $0x1B8E;
	s24 =	sld [smem:$0x3FFE];
	[sflag:s23] =	ssyncadd.s32 $0xFFFFFFFF  }
0xa5: {  	s26 =	simm.s32 $execute0_lowered;
	[smem:$0x3FD2] =	sst s25  }
0xa6: {  	s5 =	sshll.u32 s26, $0x1;
	_ =	strace $0x80000049;
	[dreg:$0x1] =	wrdreg $0xFFFFFFFF  }
0xa7: {  	s28 =	simm.s32 $_size_execute0_lowered;
	s3 =	sadd.s32 s3, s5;
	[dreg:$0x0] =	wrdreg $0x0  }
0xa8: {  	s5 =	sshll.u32 s28, $0x1;
	[dreg:$0x2] =	wrdreg s3  }
0xa9: {  	[dreg:$0x3] =	wrdreg s5  }
0xaa: {  	[dreg:$0x4] =	wrdreg $0xC0  }
0xab: {  	_ =	task [dreg:s7], $0x5FFFF  }
0xac: {  	[dreg:$0x1] =	wrdreg $0xFFFFFFFF  }
0xad: {  	[dreg:$0x0] =	wrdreg $0x60  }
0xae: {  	[dreg:$0x2] =	wrdreg s24  }
0xaf: {  	[dreg:$0x3] =	wrdreg s2  }
0xb0: {  	[dreg:$0x4] =	wrdreg $0xA8000  }
0xb1: {  	[dreg:$0x5] =	wrdreg $0x9  }
0xb2: {  	_ =	task.clear_ibuf [dreg:s7], $0x6FFFF;
	_ =	strace $0x90000049  }
0xb3: {  	s29 =	simm.s32 $0x9;
	_ =	strace $0x8000004B  }
0xb4: {  	_ =	swait.ge [sflag:s29], $0x1  }
0xb5: {  	[sflag:s29] =	ssyncadd.s32 $0xFFFFFFFF  }
0xb6: {  	_ =	strace $0x9000004B  }
0xb7: {  	_ =	sfence  }
0xb8: {  	s30 =	sld [smem:$0x0];
	_ =	sdelay $0x2  }
0xb9: {  	s31 =	sshll.u32 s1, $0xD;
	s1 =	sshrl.u32 s1, $0x2  }
0xba: {  	s3 =	sand.u32 $0x4000, s31;
	s1 =	sadd.s32 s1, s30  }
0xbb: {  	s0 =	sor.u32 s3, s0;
	s1 =	sshll.u32 s1, $0x11  }
0xbc: {  	s0 =	sor.u32 s1, s0  }
0xbd: {  	s0 =	sadd.s32 $0x8F2B, s0  }
0xbe: {  	[sflag:s0] =	ssyncadd.remote.s32 $0x1  }
0xbf: {  	_ =	sfence.sel $0xFFFF  }
0xc0: {  	[dreg:$0x0] =	wrdreg $0xFFFFFFFF;
	(pc) =	sbr.abs _section_cstart, $3  }
0xc1: {  	[dreg:$0x1] =	wrdreg $0xFFFFFFFF  }
0xc2: {  	_ =	task.clear_ibuf [dreg:s7], $0x2FFFF;
	_ =	strace $0x9FFFFFFF  }
0xc3: {  	(tm) =	ssettm $0x7FFFFFFF  }
tec
execute0_lowered:
.L_overlay_start_1:
0x0: {  	(tag) =	ssettag $0x1  }
0x1: {  	s6 =	rddreg [dreg:$0x0]  }
0x2: {  	s12 =	rddreg [dreg:$0x1]  }
0x3: {  	s1 =	rddreg [dreg:$0x2]  }
0x4: {  	s2 =	srdreg.scid;
	s0 =	rddreg [dreg:$0x3];
	s3 =	simm.s32 $0x0  }
0x5: {  	s17 =	simm.s32 $0x3;
	s18 =	simm.s32 $0x1400;
	s19 =	simm.s32 $0x80  }
0x6: {  	s20 =	simm.s32 $0x6800;
	s21 =	simm.s32 $0x1;
	s22 =	simm.s32 $0x2  }
0x7: {  	s23 =	simm.s32 $0x2700;
	s24 =	simm.s32 $0x2780;
	s5 =	sand.u32 $0x1, s2  }
0x8: {  	s25 =	simm.s32 $0x0;
	s2 =	stileid.u32;
	s7 =	smul.u32 $0x140000, s5  }
0x9: {  	[smem:$0x7FF] =	sst s3;
	s4 =	sadd.s32 $0xC600, s6;
	s8 =	smul.u32 $0x14000, s2  }
0xa: {  	s13 =	sadd.s32 $0x2600, s6;
	s29 =	smul.u32 $0x50000, s2;
	s9 =	sshll.u32 s2, $0x1  }
0xb: {  	_ =	strace $0x8000004A;
	s10 =	ssub.s32 $0x2, s5;
	s9 =	sor.u32 s5, s9  }
0xc: {  	s31 =	sshrl.u32 s10, $0x1;
	s7 =	sadd.s32 s8, s7;
	s30 =	sshrl.u32 s29, $0x2  }
0xd: {  	s9 =	smul.u32 $0x2800, s9;
	s15 =	ssub.s32 s10, s31;
	s7 =	sshrl.u32 s7, $0x3  }
0xe: {  	s5 =	sadd.s32 s30, s1;
	s15 =	smax.u32 s15, $0x1;
	s14 =	sadd.s32 s7, s6  }
0xf: {  	s6 =	sadd.s32 $0x4000, s5;
	s7 =	sadd.s32 $0x8000, s5;
	s11 =	sshrl.u32 s9, $0x3  }
0x10: {  	s8 =	sadd.s32 $0xC000, s5;
	s9 =	sadd.s32 $0x10000, s5;
	s10 =	sadd.s32 s12, s11  }
0x11: {  	s16 =	sadd.s32 $0x280, s11;
	s11 =	sadd.s32 s13, s11;
	s14 =	sadd.s32 $0x34600, s14  }
0x12: {  	v0 =	vimm.f32 $0.0e+00;
	s12 =	sadd.s32 s12, s16;
	s13 =	sadd.s32 s13, s16;
	s16 =	simm.s32 $0x2800  }
.LBB2_1:
0x13: {  	s26 =	simm.s32 $0x0;
	s28 =	simm.s32 $0x200  }
.LBB2_2:
0x14: {  	p0 =	sne.s32 s28, $0xFE00;
	[tilespmem:s26+$0x2870] =	vst v0  }
0x15: {  	[tilespmem:s26+$0x2800] =	vst v0  }
0x16: {  	[tilespmem:s26+$0x2810] =	vst v0  }
.Ltmp0:
0x17: {  	[tilespmem:s26+$0x2820] =	vst v0;
	(pc) =	sbr.rel @p0 .LBB2_2-.Ltmp0, $4  }
0x18: {  	[tilespmem:s26+$0x2830] =	vst v0  }
0x19: {  	[tilespmem:s26+$0x2840] =	vst v0  }
0x1a: {  	[tilespmem:s26+$0x2850] =	vst v0  }
0x1b: {  	[tilespmem:s26+$0x2860] =	vst v0;
	s26 =	sshra.s32 s28, $0x2;
	s28 =	sadd.s32 $0x200, s28  }
0x1c: {  	[tilespmem:s26+$0x2870] =	vst v0  }
0x1d: {  	[tilespmem:s26+$0x2800] =	vst v0  }
0x1e: {  	[tilespmem:s26+$0x2810] =	vst v0  }
0x1f: {  	[tilespmem:s26+$0x2820] =	vst v0  }
0x20: {  	[tilespmem:s26+$0x2830] =	vst v0  }
0x21: {  	[tilespmem:s26+$0x2840] =	vst v0  }
0x22: {  	[tilespmem:s26+$0x2850] =	vst v0  }
0x23: {  	[tilespmem:s26+$0x2860] =	vst v0  }
0x24: {  	[spmem:s5] =	stream.linear.scatter [tilespmem:s16], [sflag:$0x3], $0x4000, $0x38;
	[tilespmem:$0x1E800] =	vst v63  }
0x25: {  	_ =	swait.ge [sflag:s17], $0x4000  }
0x26: {  	[sflag:s17] =	ssyncset.done $0x0  }
0x27: {  	[sflag:s17] =	ssyncadd.s32 $0xFFFFC000  }
0x28: {  	[spmem:s6] =	stream.linear.scatter [tilespmem:s16], [sflag:$0x3], $0x4000, $0x38;
	[tilespmem:$0x1E800] =	vst v63  }
0x29: {  	_ =	swait.ge [sflag:s17], $0x4000  }
0x2a: {  	[sflag:s17] =	ssyncset.done $0x0  }
0x2b: {  	[sflag:s17] =	ssyncadd.s32 $0xFFFFC000  }
0x2c: {  	[spmem:s7] =	stream.linear.scatter [tilespmem:s16], [sflag:$0x3], $0x4000, $0x38;
	[tilespmem:$0x1E800] =	vst v63  }
0x2d: {  	_ =	swait.ge [sflag:s17], $0x4000  }
0x2e: {  	[sflag:s17] =	ssyncset.done $0x0  }
0x2f: {  	[sflag:s17] =	ssyncadd.s32 $0xFFFFC000  }
0x30: {  	[spmem:s8] =	stream.linear.scatter [tilespmem:s16], [sflag:$0x3], $0x4000, $0x38;
	[tilespmem:$0x1E800] =	vst v63  }
0x31: {  	_ =	swait.ge [sflag:s17], $0x4000  }
0x32: {  	[sflag:s17] =	ssyncset.done $0x0  }
0x33: {  	[sflag:s17] =	ssyncadd.s32 $0xFFFFC000  }
0x34: {  	[spmem:s9] =	stream.linear.scatter [tilespmem:s16], [sflag:$0x3], $0x4000, $0x38;
	[tilespmem:$0x1E800] =	vst v63  }
0x35: {  	_ =	swait.ge [sflag:s17], $0x4000  }
0x36: {  	[sflag:s17] =	ssyncset.done $0x0  }
0x37: {  	[sflag:s17] =	ssyncadd.s32 $0xFFFFC000  }
0x38: {  	s31 =	simm.s32 $0x0;
	[bflag:$0x0] =	sbarrier.arrive $0xFFFF  }
0x39: {  	[tilespmem:s31], [sflag:$0x3] =	stream.linear.gather [hbm4b:s10+s31], $0x1400, $0x38;
	[tilespmem:$0x1E800] =	vst v63  }
0x3a: {  	_ =	swait.ge [sflag:s17], $0x1400  }
0x3b: {  	[sflag:s17] =	ssyncset.done $0x0  }
0x3c: {  	[sflag:s17] =	ssyncadd.s32 $0xFFFFEC00  }
0x3d: {  	[tilespmem:s18], [sflag:$0x3] =	stream.linear.gather [hbm4b:s11+s31], $0x1400, $0x38;
	[tilespmem:$0x1E800] =	vst v63  }
0x3e: {  	_ =	swait.ge [sflag:s17], $0x1400  }
0x3f: {  	[sflag:s17] =	ssyncset.done $0x0  }
0x40: {  	[sflag:s17] =	ssyncadd.s32 $0xFFFFEC00  }
0x41: {  	[tilespmem:s16], [sflag:$0x1] =	stream.indirect.gather [hbm4b:s4+s19], $0x80, s31, s19, $0xb8;
	[tilespmem:$0x1E800] =	vst v63  }
0x42: {  	_ = 	snop  }
0x43: {  	[tilespmem:s20], [sflag:$0x2] =	stream.indirect.gather [hbm4b:s4+s19], $0x80, s19, s19, $0xb8;
	[tilespmem:$0x1E800] =	vst v63  }
0x44: {  	_ =	swait.ge [sflag:s21], $0x4000  }
0x45: {  	[sflag:s21] =	ssyncset.done $0x0  }
0x46: {  	s29 =	simm.s32 $0x1400;
	[sflag:s21] =	ssyncadd.s32 $0xFFFFC000  }
0x47: {  	[spmem:s1] =	stream.indirect.scatter.add.f32 [tilespmem:s16], [sflag:$0x3], $0x80, s29, s19, $0xb8;
	[tilespmem:$0x1E800] =	vst v63  }
0x48: {  	_ =	swait.ge [sflag:s17], $0x4000  }
0x49: {  	[sflag:s17] =	ssyncset.done $0x0  }
0x4a: {  	s30 =	simm.s32 $0x100;
	[sflag:s17] =	ssyncadd.s32 $0xFFFFC000  }
0x4b: {  	[tilespmem:s16], [sflag:$0x1] =	stream.indirect.gather [hbm4b:s4+s19], $0x80, s30, s19, $0xb8;
	[tilespmem:$0x1E800] =	vst v63  }
0x4c: {  	_ =	swait.ge [sflag:s22], $0x4000  }
0x4d: {  	[sflag:s22] =	ssyncset.done $0x0  }
0x4e: {  	s31 =	simm.s32 $0x1480;
	[sflag:s22] =	ssyncadd.s32 $0xFFFFC000  }
0x4f: {  	[spmem:s1] =	stream.indirect.scatter.add.f32 [tilespmem:s20], [sflag:$0x3], $0x80, s31, s19, $0xb8;
	[tilespmem:$0x1E800] =	vst v63  }
0x50: {  	_ =	swait.ge [sflag:s17], $0x4000  }
0x51: {  	[sflag:s17] =	ssyncset.done $0x0  }
0x52: {  	s26 =	simm.s32 $0x400;
	s28 =	simm.s32 $0x180;
	[sflag:s17] =	ssyncadd.s32 $0xFFFFC000  }
.LBB2_4:
0x53: {  	[tilespmem:s20], [sflag:$0x2] =	stream.indirect.gather [hbm4b:s4+s19], $0x80, s28, s19, $0xb8;
	[tilespmem:$0x1E800] =	vst v63  }
0x54: {  	s28 =	smov.u32 s26  }
0x55: {  	p0 =	sne.s32 s26, $0x4800;
	s26 =	sadd.s32 $0x400, s26;
	_ =	swait.ge [sflag:s21], $0x4000  }
0x56: {  	s28 =	sshra.s32 s28, $0x2;
	[sflag:s21] =	ssyncset.done $0x0  }
0x57: {  	s29 =	sadd.s32 $0x1400, s28;
	[sflag:s21] =	ssyncadd.s32 $0xFFFFC000  }
0x58: {  	[spmem:s1] =	stream.indirect.scatter.add.f32 [tilespmem:s16], [sflag:$0x3], $0x80, s29, s19, $0xb8;
	[tilespmem:$0x1E800] =	vst v63  }
0x59: {  	_ =	swait.ge [sflag:s17], $0x4000  }
0x5a: {  	[sflag:s17] =	ssyncset.done $0x0  }
0x5b: {  	s29 =	sadd.s32 $0x100, s28;
	[sflag:s17] =	ssyncadd.s32 $0xFFFFC000  }
0x5c: {  	[tilespmem:s16], [sflag:$0x1] =	stream.indirect.gather [hbm4b:s4+s19], $0x80, s29, s19, $0xb8;
	[tilespmem:$0x1E800] =	vst v63  }
0x5d: {  	_ =	swait.ge [sflag:s22], $0x4000  }
0x5e: {  	[sflag:s22] =	ssyncset.done $0x0  }
.Ltmp1:
0x5f: {  	s29 =	sadd.s32 $0x1480, s28;
	[sflag:s22] =	ssyncadd.s32 $0xFFFFC000;
	(pc) =	sbr.rel @p0 .LBB2_4-.Ltmp1, $4  }
0x60: {  	[spmem:s1] =	stream.indirect.scatter.add.f32 [tilespmem:s20], [sflag:$0x3], $0x80, s29, s19, $0xb8;
	[tilespmem:$0x1E800] =	vst v63  }
0x61: {  	_ =	swait.ge [sflag:s17], $0x4000  }
0x62: {  	[sflag:s17] =	ssyncset.done $0x0  }
0x63: {  	s28 =	sadd.s32 $0x180, s28;
	[sflag:s17] =	ssyncadd.s32 $0xFFFFC000  }
0x64: {  	[tilespmem:s20], [sflag:$0x2] =	stream.indirect.gather [hbm4b:s4+s19], $0x80, s28, s19, $0xb8;
	[tilespmem:$0x1E800] =	vst v63  }
0x65: {  	_ =	swait.ge [sflag:s21], $0x4000  }
0x66: {  	[sflag:s21] =	ssyncset.done $0x0  }
0x67: {  	[sflag:s21] =	ssyncadd.s32 $0xFFFFC000  }
0x68: {  	[spmem:s1] =	stream.indirect.scatter.add.f32 [tilespmem:s16], [sflag:$0x3], $0x80, s23, s19, $0xb8;
	[tilespmem:$0x1E800] =	vst v63  }
0x69: {  	_ =	swait.ge [sflag:s17], $0x4000  }
0x6a: {  	[sflag:s17] =	ssyncset.done $0x0  }
0x6b: {  	s26 =	simm.s32 $0x0;
	[sflag:s17] =	ssyncadd.s32 $0xFFFFC000  }
0x6c: {  	[tilespmem:s16], [sflag:$0x1] =	stream.indirect.gather [hbm4b:s4+s19], $0x80, s26, s19, $0xb8;
	[tilespmem:$0x1E800] =	vst v63  }
0x6d: {  	_ =	swait.ge [sflag:s22], $0x4000  }
0x6e: {  	[sflag:s22] =	ssyncset.done $0x0  }
0x6f: {  	[sflag:s22] =	ssyncadd.s32 $0xFFFFC000  }
0x70: {  	[spmem:s1] =	stream.indirect.scatter.add.f32 [tilespmem:s20], [sflag:$0x3], $0x80, s24, s19, $0xb8;
	[tilespmem:$0x1E800] =	vst v63  }
0x71: {  	_ =	swait.ge [sflag:s17], $0x4000  }
0x72: {  	[sflag:s17] =	ssyncset.done $0x0  }
0x73: {  	[sflag:s17] =	ssyncadd.s32 $0xFFFFC000  }
0x74: {  	[tilespmem:s20], [sflag:$0x2] =	stream.indirect.gather [hbm4b:s4+s19], $0x80, s19, s19, $0xb8;
	[tilespmem:$0x1E800] =	vst v63  }
0x75: {  	_ =	swait.ge [sflag:s21], $0x4000  }
0x76: {  	[sflag:s21] =	ssyncset.done $0x0  }
0x77: {  	[sflag:s21] =	ssyncadd.s32 $0xFFFFC000  }
0x78: {  	_ =	swait.ge [sflag:s22], $0x4000  }
0x79: {  	[sflag:s22] =	ssyncset.done $0x0  }
0x7a: {  	[sflag:s22] =	ssyncadd.s32 $0xFFFFC000  }
0x7b: {  	[tilespmem:s26], [sflag:$0x3] =	stream.linear.gather [hbm4b:s12+s26], $0x1400, $0x38;
	[tilespmem:$0x1E800] =	vst v63  }
0x7c: {  	_ =	swait.ge [sflag:s17], $0x1400  }
0x7d: {  	[sflag:s17] =	ssyncset.done $0x0  }
0x7e: {  	[sflag:s17] =	ssyncadd.s32 $0xFFFFEC00  }
0x7f: {  	[tilespmem:s18], [sflag:$0x3] =	stream.linear.gather [hbm4b:s13+s26], $0x1400, $0x38;
	[tilespmem:$0x1E800] =	vst v63  }
0x80: {  	_ =	swait.ge [sflag:s17], $0x1400  }
0x81: {  	[sflag:s17] =	ssyncset.done $0x0  }
0x82: {  	[sflag:s17] =	ssyncadd.s32 $0xFFFFEC00  }
0x83: {  	[tilespmem:s16], [sflag:$0x1] =	stream.indirect.gather [hbm4b:s4+s19], $0x80, s26, s19, $0xb8;
	[tilespmem:$0x1E800] =	vst v63  }
0x84: {  	_ = 	snop  }
0x85: {  	[tilespmem:s20], [sflag:$0x2] =	stream.indirect.gather [hbm4b:s4+s19], $0x80, s19, s19, $0xb8;
	[tilespmem:$0x1E800] =	vst v63  }
0x86: {  	_ =	swait.ge [sflag:s21], $0x4000  }
0x87: {  	[sflag:s21] =	ssyncset.done $0x0  }
0x88: {  	s29 =	simm.s32 $0x1400;
	[sflag:s21] =	ssyncadd.s32 $0xFFFFC000  }
0x89: {  	[spmem:s1] =	stream.indirect.scatter.add.f32 [tilespmem:s16], [sflag:$0x3], $0x80, s29, s19, $0xb8;
	[tilespmem:$0x1E800] =	vst v63  }
0x8a: {  	_ =	swait.ge [sflag:s17], $0x4000  }
0x8b: {  	[sflag:s17] =	ssyncset.done $0x0  }
0x8c: {  	s30 =	simm.s32 $0x100;
	[sflag:s17] =	ssyncadd.s32 $0xFFFFC000  }
0x8d: {  	[tilespmem:s16], [sflag:$0x1] =	stream.indirect.gather [hbm4b:s4+s19], $0x80, s30, s19, $0xb8;
	[tilespmem:$0x1E800] =	vst v63  }
0x8e: {  	_ =	swait.ge [sflag:s22], $0x4000  }
0x8f: {  	[sflag:s22] =	ssyncset.done $0x0  }
0x90: {  	s31 =	simm.s32 $0x1480;
	[sflag:s22] =	ssyncadd.s32 $0xFFFFC000  }
0x91: {  	[spmem:s1] =	stream.indirect.scatter.add.f32 [tilespmem:s20], [sflag:$0x3], $0x80, s31, s19, $0xb8;
	[tilespmem:$0x1E800] =	vst v63  }
0x92: {  	_ =	swait.ge [sflag:s17], $0x4000  }
0x93: {  	[sflag:s17] =	ssyncset.done $0x0  }
0x94: {  	s28 =	simm.s32 $0x180;
	s26 =	simm.s32 $0x400;
	[sflag:s17] =	ssyncadd.s32 $0xFFFFC000  }
.LBB2_6:
0x95: {  	[tilespmem:s20], [sflag:$0x2] =	stream.indirect.gather [hbm4b:s4+s19], $0x80, s28, s19, $0xb8;
	[tilespmem:$0x1E800] =	vst v63  }
0x96: {  	s28 =	smov.u32 s26  }
0x97: {  	p0 =	sne.s32 s26, $0x4800;
	s26 =	sadd.s32 $0x400, s26;
	_ =	swait.ge [sflag:s21], $0x4000  }
0x98: {  	s28 =	sshra.s32 s28, $0x2;
	[sflag:s21] =	ssyncset.done $0x0  }
0x99: {  	s29 =	sadd.s32 $0x1400, s28;
	[sflag:s21] =	ssyncadd.s32 $0xFFFFC000  }
0x9a: {  	[spmem:s1] =	stream.indirect.scatter.add.f32 [tilespmem:s16], [sflag:$0x3], $0x80, s29, s19, $0xb8;
	[tilespmem:$0x1E800] =	vst v63  }
0x9b: {  	_ =	swait.ge [sflag:s17], $0x4000  }
0x9c: {  	[sflag:s17] =	ssyncset.done $0x0  }
0x9d: {  	s29 =	sadd.s32 $0x100, s28;
	[sflag:s17] =	ssyncadd.s32 $0xFFFFC000  }
0x9e: {  	[tilespmem:s16], [sflag:$0x1] =	stream.indirect.gather [hbm4b:s4+s19], $0x80, s29, s19, $0xb8;
	[tilespmem:$0x1E800] =	vst v63  }
0x9f: {  	_ =	swait.ge [sflag:s22], $0x4000  }
0xa0: {  	[sflag:s22] =	ssyncset.done $0x0  }
.Ltmp2:
0xa1: {  	s29 =	sadd.s32 $0x1480, s28;
	[sflag:s22] =	ssyncadd.s32 $0xFFFFC000;
	(pc) =	sbr.rel @p0 .LBB2_6-.Ltmp2, $4  }
0xa2: {  	[spmem:s1] =	stream.indirect.scatter.add.f32 [tilespmem:s20], [sflag:$0x3], $0x80, s29, s19, $0xb8;
	[tilespmem:$0x1E800] =	vst v63  }
0xa3: {  	_ =	swait.ge [sflag:s17], $0x4000  }
0xa4: {  	[sflag:s17] =	ssyncset.done $0x0  }
0xa5: {  	s28 =	sadd.s32 $0x180, s28;
	[sflag:s17] =	ssyncadd.s32 $0xFFFFC000  }
0xa6: {  	[tilespmem:s20], [sflag:$0x2] =	stream.indirect.gather [hbm4b:s4+s19], $0x80, s28, s19, $0xb8;
	[tilespmem:$0x1E800] =	vst v63  }
0xa7: {  	_ =	swait.ge [sflag:s21], $0x4000  }
0xa8: {  	[sflag:s21] =	ssyncset.done $0x0  }
0xa9: {  	[sflag:s21] =	ssyncadd.s32 $0xFFFFC000  }
0xaa: {  	[spmem:s1] =	stream.indirect.scatter.add.f32 [tilespmem:s16], [sflag:$0x3], $0x80, s23, s19, $0xb8;
	[tilespmem:$0x1E800] =	vst v63  }
0xab: {  	_ =	swait.ge [sflag:s17], $0x4000  }
0xac: {  	[sflag:s17] =	ssyncset.done $0x0  }
0xad: {  	[sflag:s17] =	ssyncadd.s32 $0xFFFFC000  }
0xae: {  	[tilespmem:s16], [sflag:$0x1] =	stream.indirect.gather [hbm4b:s4+s19], $0x80, s3, s19, $0xb8;
	[tilespmem:$0x1E800] =	vst v63  }
0xaf: {  	_ =	swait.ge [sflag:s22], $0x4000  }
0xb0: {  	[sflag:s22] =	ssyncset.done $0x0  }
0xb1: {  	[sflag:s22] =	ssyncadd.s32 $0xFFFFC000  }
0xb2: {  	[spmem:s1] =	stream.indirect.scatter.add.f32 [tilespmem:s20], [sflag:$0x3], $0x80, s24, s19, $0xb8;
	[tilespmem:$0x1E800] =	vst v63  }
0xb3: {  	_ =	swait.ge [sflag:s17], $0x4000  }
0xb4: {  	[sflag:s17] =	ssyncset.done $0x0  }
0xb5: {  	[sflag:s17] =	ssyncadd.s32 $0xFFFFC000  }
0xb6: {  	[tilespmem:s20], [sflag:$0x2] =	stream.indirect.gather [hbm4b:s4+s19], $0x80, s19, s19, $0xb8;
	[tilespmem:$0x1E800] =	vst v63  }
0xb7: {  	_ =	swait.ge [sflag:s21], $0x4000  }
0xb8: {  	[sflag:s21] =	ssyncset.done $0x0  }
0xb9: {  	[sflag:s21] =	ssyncadd.s32 $0xFFFFC000  }
0xba: {  	_ =	swait.ge [sflag:s22], $0x4000  }
0xbb: {  	s26 =	sshll.u32 s2, $0x6;
	s25 =	sadd.s32 $0x1, s25;
	[sflag:s22] =	ssyncset.done $0x0  }
0xbc: {  	s31 =	sshrl.u32 s5, $0x3;
	p0 =	sne.s32 s25, s15;
	[sflag:s22] =	ssyncadd.s32 $0xFFFFC000  }
.Ltmp3:
0xbd: {  	s26 =	sor.u32 $0x1C03, s26;
	[bflag:$0x0] =	sbarrier.arrive $0xFFFF;
	(pc) =	sbr.rel @p0 .LBB2_1-.Ltmp3, $4  }
0xbe: {  	[hbm:s14], [sflag:s26] =	dma.local [spmem:s31], $0x2800  }
0xbf: {  	_ =	swait.ge [sflag:s17], $0x2800  }
0xc0: {  	[sflag:s17] =	ssyncset.done $0x0  }
0xc1: {  	[sflag:s17] =	ssyncadd.s32 $0xFFFFD800  }
0xc2: {  	_ =	sfence.sel $0x180000  }
0xc3: {  	[bflag:$0x0] =	sbarrier.arrive $0xFFFF  }
0xc4: {  	p0 =	sne.s32 s2, $0x0;
	_ =	strace $0x9000004A  }
0xc5: {  	s0 =	sadd.s32 @!p0 $0x100000, s0;
	[bflag:$0x2] =	sbarrier.arrive $0xFFFF  }
0xc6: {  	[sflag:s0] =	ssyncadd.tile.s32 @!p0 $0x1;
	_ =	shalt  }
.Lfunc_end2:
_tile_overlayer_lowered:
.L_overlay_start_2:
0xc7: {  	(tag) =	ssettag $0x2  }
0xc8: {  	s0 =	rddreg [dreg:$0x0];
	s2 =	stileid.u32  }
0xc9: {  	s1 =	rddreg [dreg:$0x1];
	p0 =	sne.s32 s2, $0x0  }
0xca: {  	s3 =	rddreg [dreg:$0x2];
	[bflag:$0x3] =	sbarrier.arrive $0xFFFF;
	s2 =	simm.s32 @!p0 $0x1C03  }
0xcb: {  	[timem:s3], [sflag:s2] =	dma.local @!p0 [hbm:s0], s1  }
0xcc: {  	s0 =	simm.s32 @!p0 $0x3  }
0xcd: {  	_ =	swait.ge @!p0 [sflag:s0], s1  }
0xce: {  	s1 =	ssub.s32 @!p0 $0x0, s1;
	[sflag:s0] =	ssyncset.done @!p0 $0x0  }
0xcf: {  	[sflag:s0] =	ssyncadd.s32 @!p0 s1  }
0xd0: {  	[bflag:$0x3] =	sbarrier.arrive $0xFFFF  }
0xd1: {  	_ =	shalt  }

</sc_bundles>
